<compile_context>
chip_gen: v7x
topology: tpu7x:2x2x1
jax: 0.10.2.dev20260603
libtpu: 0.0.44.dev20260713+nightly
codegen_flags: <defaults>
</compile_context>

<pallas_src>
import jax
import jax.numpy as jnp
from jax import lax
from jax.experimental import pallas as pl
from jax.experimental.pallas import tpu as pltpu
from jax.experimental.pallas import tpu_sc as plsc

_B = 16384
_N = 64
_MARGIN = 1.0
_NW = 32
_RPW = _B // _NW
_L = 16
_W = 128
_PRW = _RPW * _N // _W
_NSLAB = 2
_PSLAB = _PRW // _NSLAB


def _sc_body(scores_hbm, wrT_hbm, out_hbm, chunk, wr0, partial, sems, semw):
    cid = lax.axis_index("c")
    sid = lax.axis_index("s")
    wid = sid * 2 + cid
    iota = lax.iota(jnp.int32, _L)

    copies = []
    for k in range(_NSLAB):
        copies.append(pltpu.async_copy(
            scores_hbm.at[pl.ds(wid * _PRW + k * _PSLAB, _PSLAB), :],
            chunk.at[pl.ds(k * _PSLAB, _PSLAB), :], sems[k]))
    wr_copy = pltpu.async_copy(
        wrT_hbm.at[pl.ds(0, 8), pl.ds(wid * _RPW, _RPW)], wr0, semw)

    accs = (jnp.zeros((_L,), jnp.float32),) * 4

    def row_body(q, accs):
        qs = jnp.full((_L,), q, jnp.int32)
        new = list(accs)
        for h in range(2):
            posplat = plsc.load_gather(
                chunk, [qs, jnp.full((_L,), h * _N, jnp.int32)])
            mb = posplat - jnp.float32(_MARGIN)
            for j in range(_N // _L):
                v = chunk[q, pl.ds(h * _N + j * _L, _L)]
                new[j] = new[j] + jnp.maximum(v, mb)
        return tuple(new)

    for k in range(_NSLAB):
        copies[k].wait()
        accs = lax.fori_loop(k * _PSLAB, (k + 1) * _PSLAB, row_body, accs,
                             unroll=2)

    wr_copy.wait()
    racc = jnp.zeros((_L,), jnp.float32)
    msum = jnp.zeros((_L,), jnp.float32)
    for m in range(_RPW // _L):
        rows = m * _L + iota
        q = lax.shift_right_logical(rows, 1)
        hcol = (rows & 1) * _N
        r0 = wr0[0, pl.ds(m * _L, _L)]
        posv = plsc.load_gather(chunk, [q, hcol])
        g = plsc.load_gather(chunk, [q, hcol + r0])
        mb = posv - jnp.float32(_MARGIN)
        racc = racc + jnp.maximum(g, mb)
        msum = msum + mb

    total = accs[0] + accs[1] + accs[2] + accs[3] - racc
    partial[...] = total * jnp.float32(1.0 / (_N - 1)) - msum
    pltpu.sync_copy(partial, out_hbm.at[wid])


def kernel(scores, nBestIndex, werRank):
    s2d = scores.reshape(_B * _N // _W, _W)
    wrT = werRank.T
    mesh = plsc.VectorSubcoreMesh(core_axis_name="c", subcore_axis_name="s")
    out = pl.kernel(
        _sc_body,
        mesh=mesh,
        out_type=jax.ShapeDtypeStruct((_NW, _L), jnp.float32),
        scratch_types=[
            pltpu.VMEM((_PRW, _W), jnp.float32),
            pltpu.VMEM((8, _RPW), jnp.int32),
            pltpu.VMEM((_L,), jnp.float32),
            [pltpu.SemaphoreType.DMA] * _NSLAB,
            pltpu.SemaphoreType.DMA,
        ],
        compiler_params=pltpu.CompilerParams(needs_layout_passes=False),
    )(s2d, wrT)
    return jnp.sum(out).reshape(1)

# --- scband reference (transcript-rebuilt; emitter-appended) ---
"""Pipeline reference for scband-torch-margin-loss-8890582302787 (READ-ONLY COPY).

The authoritative reference and input builder live on the scoring server;
editing this copy changes nothing except your own understanding.
"""

import jax, jax.numpy as jnp
import numpy as np

B = 16384
N = 64
MARGIN = 1.0

def setup_inputs(seed: int = 0) -> dict:
    key = jax.random.key(seed)
    k1, k2 = jax.random.split(key)
    scores = jax.random.normal(k1, (B * N,), dtype=jnp.float32)
    # uniform N-best size per utterance (constant N so shapes are static)
    nBestIndex = jnp.full((B,), N, dtype=jnp.int32)
    # per-utterance WER rank: a permutation of 0..N-1 for each row
    werRank = jnp.argsort(jax.random.uniform(k2, (B, N)), axis=1).astype(jnp.int32)
    return {"scores": scores, "nBestIndex": nBestIndex, "werRank": werRank}

def reference(scores, nBestIndex, werRank):
    # Faithful to torchMarginLoss with useTopOnly=True, reduction='mean',
    # vectorized over utterances under the uniform-N assumption.
    # For each utterance: pos = first hypothesis score in its slice,
    # neg = scores gathered at werRank[1:]; loss = mean(relu(margin - (pos - neg)));
    # total loss = sum over utterances (accumulation of per-utterance means).
    Bq, Nq = werRank.shape
    s = scores.reshape(Bq, Nq)
    pos = s[:, 0]                                        # nBestScore[0]
    neg = jnp.take_along_axis(s, werRank[:, 1:], axis=1)  # nBestScore[nBestRank[1:]]
    # MarginRankingLoss(x1, x2, y=1): max(0, -(x1 - x2) + margin)
    per_pair = jnp.maximum(0.0, MARGIN - (pos[:, None] - neg))
    per_utt = per_pair.mean(axis=1)                      # reduction='mean' per utterance
    total = per_utt.sum()                                # total_loss += loss accumulation
    return jnp.reshape(total, (1,))

if __name__ == "__main__":
    import jax
    _d = setup_inputs()
    print(jax.jit(kernel)(*tuple(_d.values())))

</pallas_src>

<mosaic_0001>
#map = affine_map<(d0, d1) -> (0, 0)>
module attributes {stable_mosaic.version = 14 : i64} {
  func.func @_sc_body(%arg0: i32, %arg1: i32, %arg2: memref<8192x128xf32, #tpu.memory_space<hbm>>, %arg3: memref<64x16384xi32, #tpu.memory_space<hbm>>, %arg4: memref<32x16xf32, #tpu.memory_space<hbm>>, %arg5: memref<256x128xf32, #tpu.memory_space<vmem>>, %arg6: memref<8x512xi32, #tpu.memory_space<vmem>>, %arg7: memref<16xf32, #tpu.memory_space<vmem>>, %arg8: memref<!tpu.dma_semaphore, #tpu.memory_space<semaphore_mem>>, %arg9: memref<!tpu.dma_semaphore, #tpu.memory_space<semaphore_mem>>, %arg10: memref<!tpu.dma_semaphore, #tpu.memory_space<semaphore_mem>>) attributes {dimension_semantics = [#tpu.dimension_semantics<core_parallel>, #tpu.dimension_semantics<subcore_parallel>], iteration_bounds = array<i64: 2, 16>, scalar_prefetch = 0 : i64, scratch_operands = 6 : i64, tpu.core_type = #tpu.core_type<sc_vector_subcore>, window_params = [{transform_indices = #map}, {transform_indices = #map}, {transform_indices = #map}]} {
    %mul3A = arith.constant 2 : i32
    %mul3A_0 = arith.muli %arg1, %mul3A : i32
    %add3A = arith.addi %mul3A_0, %arg0 : i32
    %iota3A = tpu.iota {dimensions = array<i32: 0>} : vector<16xi32>
    %mul3A_1 = arith.constant 256 : i32
    %mul3A_2 = arith.muli %add3A, %mul3A_1 : i32
    %add3A_3 = arith.constant 0 : i32
    %add3A_4 = arith.addi %mul3A_2, %add3A_3 : i32
    %dma_start3A = arith.constant 0 : i32
    %dma_start3A_5 = arith.constant 0 : i32
    %dma_start3A_6 = tpu.memref_slice %arg5[%dma_start3A, %dma_start3A_5] : memref<256x128xf32, #tpu.memory_space<vmem>> -> memref<128x128xf32, #tpu.memory_space<vmem>>
    %dma_start3A_7 = arith.constant 0 : i32
    %dma_start3A_8 = tpu.memref_slice %arg2[%add3A_4, %dma_start3A_7] : memref<8192x128xf32, #tpu.memory_space<hbm>> -> memref<128x128xf32, #tpu.memory_space<hbm>>
    %dma_start3A_9 = arith.constant 0 : i32
    %dma_start3A_10 = arith.constant 0 : i32
    %dma_start3A_11 = tpu.memref_slice %arg5[%dma_start3A_9, %dma_start3A_10] : memref<256x128xf32, #tpu.memory_space<vmem>> -> memref<128x128xf32, #tpu.memory_space<vmem>>
    %dma_start3A_12 = arith.constant 0 : i32
    %dma_start3A_13 = tpu.memref_slice %arg2[%add3A_4, %dma_start3A_12] : memref<8192x128xf32, #tpu.memory_space<hbm>> -> memref<128x128xf32, #tpu.memory_space<hbm>>
    tpu.enqueue_dma source(%dma_start3A_13 : memref<128x128xf32, #tpu.memory_space<hbm>>) target(%dma_start3A_11 : memref<128x128xf32, #tpu.memory_space<vmem>>) target_semaphore(%arg8 : memref<!tpu.dma_semaphore, #tpu.memory_space<semaphore_mem>>)
    %mul3A_14 = arith.constant 256 : i32
    %mul3A_15 = arith.muli %add3A, %mul3A_14 : i32
    %add3A_16 = arith.constant 128 : i32
    %add3A_17 = arith.addi %mul3A_15, %add3A_16 : i32
    %dma_start3A_18 = arith.constant 128 : i32
    %dma_start3A_19 = arith.constant 0 : i32
    %dma_start3A_20 = tpu.memref_slice %arg5[%dma_start3A_18, %dma_start3A_19] : memref<256x128xf32, #tpu.memory_space<vmem>> -> memref<128x128xf32, #tpu.memory_space<vmem>>
    %dma_start3A_21 = arith.constant 0 : i32
    %dma_start3A_22 = tpu.memref_slice %arg2[%add3A_17, %dma_start3A_21] : memref<8192x128xf32, #tpu.memory_space<hbm>> -> memref<128x128xf32, #tpu.memory_space<hbm>>
    %dma_start3A_23 = arith.constant 128 : i32
    %dma_start3A_24 = arith.constant 0 : i32
    %dma_start3A_25 = tpu.memref_slice %arg5[%dma_start3A_23, %dma_start3A_24] : memref<256x128xf32, #tpu.memory_space<vmem>> -> memref<128x128xf32, #tpu.memory_space<vmem>>
    %dma_start3A_26 = arith.constant 0 : i32
    %dma_start3A_27 = tpu.memref_slice %arg2[%add3A_17, %dma_start3A_26] : memref<8192x128xf32, #tpu.memory_space<hbm>> -> memref<128x128xf32, #tpu.memory_space<hbm>>
    tpu.enqueue_dma source(%dma_start3A_27 : memref<128x128xf32, #tpu.memory_space<hbm>>) target(%dma_start3A_25 : memref<128x128xf32, #tpu.memory_space<vmem>>) target_semaphore(%arg9 : memref<!tpu.dma_semaphore, #tpu.memory_space<semaphore_mem>>)
    %mul3A_28 = arith.constant 512 : i32
    %mul3A_29 = arith.muli %add3A, %mul3A_28 : i32
    %dma_start3A_30 = arith.constant 0 : i32
    %dma_start3A_31 = tpu.memref_slice %arg3[%dma_start3A_30, %mul3A_29] : memref<64x16384xi32, #tpu.memory_space<hbm>> -> memref<8x512xi32, #tpu.memory_space<hbm>>
    %dma_start3A_32 = arith.constant 0 : i32
    %dma_start3A_33 = tpu.memref_slice %arg3[%dma_start3A_32, %mul3A_29] : memref<64x16384xi32, #tpu.memory_space<hbm>> -> memref<8x512xi32, #tpu.memory_space<hbm>>
    tpu.enqueue_dma source(%dma_start3A_33 : memref<8x512xi32, #tpu.memory_space<hbm>>) target(%arg6 : memref<8x512xi32, #tpu.memory_space<vmem>>) target_semaphore(%arg10 : memref<!tpu.dma_semaphore, #tpu.memory_space<semaphore_mem>>)
    %broadcast_in_dim3A = arith.constant 0.000000e+00 : f32
    %broadcast_in_dim3A_34 = vector.broadcast %broadcast_in_dim3A : f32 to vector<16xf32>
    %dma_wait3A = arith.constant 0 : i32
    %dma_wait3A_35 = arith.constant 0 : i32
    %dma_wait3A_36 = tpu.memref_slice %arg5[%dma_wait3A, %dma_wait3A_35] : memref<256x128xf32, #tpu.memory_space<vmem>> -> memref<128x128xf32, #tpu.memory_space<vmem>>
    %dma_wait3A_37 = arith.constant 0 : i32
    %dma_wait3A_38 = tpu.memref_slice %arg2[%add3A_4, %dma_wait3A_37] : memref<8192x128xf32, #tpu.memory_space<hbm>> -> memref<128x128xf32, #tpu.memory_space<hbm>>
    %dma_wait3A_39 = arith.constant 0 : i32
    %dma_wait3A_40 = arith.constant 0 : i32
    %dma_wait3A_41 = tpu.memref_slice %arg5[%dma_wait3A_39, %dma_wait3A_40] : memref<256x128xf32, #tpu.memory_space<vmem>> -> memref<128x128xf32, #tpu.memory_space<vmem>>
    %dma_wait3A_42 = arith.constant 0 : i32
    %dma_wait3A_43 = tpu.memref_slice %arg2[%add3A_4, %dma_wait3A_42] : memref<8192x128xf32, #tpu.memory_space<hbm>> -> memref<128x128xf32, #tpu.memory_space<hbm>>
    tpu.wait_dma2 semaphore(%arg8 : memref<!tpu.dma_semaphore, #tpu.memory_space<semaphore_mem>>) src(%dma_wait3A_43 : memref<128x128xf32, #tpu.memory_space<hbm>>) dst(%dma_wait3A_41 : memref<128x128xf32, #tpu.memory_space<vmem>>)
    %scan3A = arith.constant 0 : i32
    %scan3A_44 = arith.constant 128 : i32
    %scan3A_45 = arith.addi %scan3A, %scan3A_44 : i32
    %scan3A_46 = arith.constant 2 : i32
    %scan3A_47:4 = scf.for %scan3A_876 = %scan3A to %scan3A_45 step %scan3A_46 iter_args(%scan3A_877 = %broadcast_in_dim3A_34, %scan3A_878 = %broadcast_in_dim3A_34, %scan3A_879 = %broadcast_in_dim3A_34, %scan3A_880 = %broadcast_in_dim3A_34) -> (vector<16xf32>, vector<16xf32>, vector<16xf32>, vector<16xf32>)  : i32 {
      %broadcast_in_dim3A_881 = vector.broadcast %scan3A_876 : i32 to vector<16xi32>
      %broadcast_in_dim3A_882 = arith.constant 0 : i32
      %broadcast_in_dim3A_883 = vector.broadcast %broadcast_in_dim3A_882 : i32 to vector<16xi32>
      %gather3A_884 = tpu.vector_load_idx %arg5[%broadcast_in_dim3A_881, %broadcast_in_dim3A_883] : memref<256x128xf32, #tpu.memory_space<vmem>>[vector<16xi32>, vector<16xi32>], vector<16xf32>,
      %sub3A_885 = arith.constant 1.000000e+00 : f32
      %sub3A_886 = vector.broadcast %sub3A_885 : f32 to vector<16xf32>
      %sub3A_887 = arith.subf %gather3A_884, %sub3A_886 : vector<16xf32>
      %get3A_888 = arith.index_cast %scan3A_876 : i32 to index
      %get3A_889 = arith.constant 0 : index
      %get3A_890 = tpu.vector_load %arg5[%get3A_888, %get3A_889] {strides = array<i32>} : memref<256x128xf32, #tpu.memory_space<vmem>>, vector<16xf32>,
      %max3A_891 = arith.maximumf %get3A_890, %sub3A_887 : vector<16xf32>
      %add3A_892 = arith.addf %scan3A_877, %max3A_891 : vector<16xf32>
      %get3A_893 = arith.index_cast %scan3A_876 : i32 to index
      %get3A_894 = arith.constant 16 : index
      %get3A_895 = tpu.vector_load %arg5[%get3A_893, %get3A_894] {strides = array<i32>} : memref<256x128xf32, #tpu.memory_space<vmem>>, vector<16xf32>,
      %max3A_896 = arith.maximumf %get3A_895, %sub3A_887 : vector<16xf32>
      %add3A_897 = arith.addf %scan3A_878, %max3A_896 : vector<16xf32>
      %get3A_898 = arith.index_cast %scan3A_876 : i32 to index
      %get3A_899 = arith.constant 32 : index
      %get3A_900 = tpu.vector_load %arg5[%get3A_898, %get3A_899] {strides = array<i32>} : memref<256x128xf32, #tpu.memory_space<vmem>>, vector<16xf32>,
      %max3A_901 = arith.maximumf %get3A_900, %sub3A_887 : vector<16xf32>
      %add3A_902 = arith.addf %scan3A_879, %max3A_901 : vector<16xf32>
      %get3A_903 = arith.index_cast %scan3A_876 : i32 to index
      %get3A_904 = arith.constant 48 : index
      %get3A_905 = tpu.vector_load %arg5[%get3A_903, %get3A_904] {strides = array<i32>} : memref<256x128xf32, #tpu.memory_space<vmem>>, vector<16xf32>,
      %max3A_906 = arith.maximumf %get3A_905, %sub3A_887 : vector<16xf32>
      %add3A_907 = arith.addf %scan3A_880, %max3A_906 : vector<16xf32>
      %broadcast_in_dim3A_908 = arith.constant 64 : i32
      %broadcast_in_dim3A_909 = vector.broadcast %broadcast_in_dim3A_908 : i32 to vector<16xi32>
      %gather3A_910 = tpu.vector_load_idx %arg5[%broadcast_in_dim3A_881, %broadcast_in_dim3A_909] : memref<256x128xf32, #tpu.memory_space<vmem>>[vector<16xi32>, vector<16xi32>], vector<16xf32>,
      %sub3A_911 = arith.constant 1.000000e+00 : f32
      %sub3A_912 = vector.broadcast %sub3A_911 : f32 to vector<16xf32>
      %sub3A_913 = arith.subf %gather3A_910, %sub3A_912 : vector<16xf32>
      %get3A_914 = arith.index_cast %scan3A_876 : i32 to index
      %get3A_915 = arith.constant 64 : index
      %get3A_916 = tpu.vector_load %arg5[%get3A_914, %get3A_915] {strides = array<i32>} : memref<256x128xf32, #tpu.memory_space<vmem>>, vector<16xf32>,
      %max3A_917 = arith.maximumf %get3A_916, %sub3A_913 : vector<16xf32>
      %add3A_918 = arith.addf %add3A_892, %max3A_917 : vector<16xf32>
      %get3A_919 = arith.index_cast %scan3A_876 : i32 to index
      %get3A_920 = arith.constant 80 : index
      %get3A_921 = tpu.vector_load %arg5[%get3A_919, %get3A_920] {strides = array<i32>} : memref<256x128xf32, #tpu.memory_space<vmem>>, vector<16xf32>,
      %max3A_922 = arith.maximumf %get3A_921, %sub3A_913 : vector<16xf32>
      %add3A_923 = arith.addf %add3A_897, %max3A_922 : vector<16xf32>
      %get3A_924 = arith.index_cast %scan3A_876 : i32 to index
      %get3A_925 = arith.constant 96 : index
      %get3A_926 = tpu.vector_load %arg5[%get3A_924, %get3A_925] {strides = array<i32>} : memref<256x128xf32, #tpu.memory_space<vmem>>, vector<16xf32>,
      %max3A_927 = arith.maximumf %get3A_926, %sub3A_913 : vector<16xf32>
      %add3A_928 = arith.addf %add3A_902, %max3A_927 : vector<16xf32>
      %get3A_929 = arith.index_cast %scan3A_876 : i32 to index
      %get3A_930 = arith.constant 112 : index
      %get3A_931 = tpu.vector_load %arg5[%get3A_929, %get3A_930] {strides = array<i32>} : memref<256x128xf32, #tpu.memory_space<vmem>>, vector<16xf32>,
      %max3A_932 = arith.maximumf %get3A_931, %sub3A_913 : vector<16xf32>
      %add3A_933 = arith.addf %add3A_907, %max3A_932 : vector<16xf32>
      %scan3A_934 = arith.constant 1 : i32
      %scan3A_935 = arith.addi %scan3A_876, %scan3A_934 : i32
      %broadcast_in_dim3A_936 = vector.broadcast %scan3A_935 : i32 to vector<16xi32>
      %broadcast_in_dim3A_937 = arith.constant 0 : i32
      %broadcast_in_dim3A_938 = vector.broadcast %broadcast_in_dim3A_937 : i32 to vector<16xi32>
      %gather3A_939 = tpu.vector_load_idx %arg5[%broadcast_in_dim3A_936, %broadcast_in_dim3A_938] : memref<256x128xf32, #tpu.memory_space<vmem>>[vector<16xi32>, vector<16xi32>], vector<16xf32>,
      %sub3A_940 = arith.constant 1.000000e+00 : f32
      %sub3A_941 = vector.broadcast %sub3A_940 : f32 to vector<16xf32>
      %sub3A_942 = arith.subf %gather3A_939, %sub3A_941 : vector<16xf32>
      %get3A_943 = arith.index_cast %scan3A_935 : i32 to index
      %get3A_944 = arith.constant 0 : index
      %get3A_945 = tpu.vector_load %arg5[%get3A_943, %get3A_944] {strides = array<i32>} : memref<256x128xf32, #tpu.memory_space<vmem>>, vector<16xf32>,
      %max3A_946 = arith.maximumf %get3A_945, %sub3A_942 : vector<16xf32>
      %add3A_947 = arith.addf %add3A_918, %max3A_946 : vector<16xf32>
      %get3A_948 = arith.index_cast %scan3A_935 : i32 to index
      %get3A_949 = arith.constant 16 : index
      %get3A_950 = tpu.vector_load %arg5[%get3A_948, %get3A_949] {strides = array<i32>} : memref<256x128xf32, #tpu.memory_space<vmem>>, vector<16xf32>,
      %max3A_951 = arith.maximumf %get3A_950, %sub3A_942 : vector<16xf32>
      %add3A_952 = arith.addf %add3A_923, %max3A_951 : vector<16xf32>
      %get3A_953 = arith.index_cast %scan3A_935 : i32 to index
      %get3A_954 = arith.constant 32 : index
      %get3A_955 = tpu.vector_load %arg5[%get3A_953, %get3A_954] {strides = array<i32>} : memref<256x128xf32, #tpu.memory_space<vmem>>, vector<16xf32>,
      %max3A_956 = arith.maximumf %get3A_955, %sub3A_942 : vector<16xf32>
      %add3A_957 = arith.addf %add3A_928, %max3A_956 : vector<16xf32>
      %get3A_958 = arith.index_cast %scan3A_935 : i32 to index
      %get3A_959 = arith.constant 48 : index
      %get3A_960 = tpu.vector_load %arg5[%get3A_958, %get3A_959] {strides = array<i32>} : memref<256x128xf32, #tpu.memory_space<vmem>>, vector<16xf32>,
      %max3A_961 = arith.maximumf %get3A_960, %sub3A_942 : vector<16xf32>
      %add3A_962 = arith.addf %add3A_933, %max3A_961 : vector<16xf32>
      %broadcast_in_dim3A_963 = arith.constant 64 : i32
      %broadcast_in_dim3A_964 = vector.broadcast %broadcast_in_dim3A_963 : i32 to vector<16xi32>
      %gather3A_965 = tpu.vector_load_idx %arg5[%broadcast_in_dim3A_936, %broadcast_in_dim3A_964] : memref<256x128xf32, #tpu.memory_space<vmem>>[vector<16xi32>, vector<16xi32>], vector<16xf32>,
      %sub3A_966 = arith.constant 1.000000e+00 : f32
      %sub3A_967 = vector.broadcast %sub3A_966 : f32 to vector<16xf32>
      %sub3A_968 = arith.subf %gather3A_965, %sub3A_967 : vector<16xf32>
      %get3A_969 = arith.index_cast %scan3A_935 : i32 to index
      %get3A_970 = arith.constant 64 : index
      %get3A_971 = tpu.vector_load %arg5[%get3A_969, %get3A_970] {strides = array<i32>} : memref<256x128xf32, #tpu.memory_space<vmem>>, vector<16xf32>,
      %max3A_972 = arith.maximumf %get3A_971, %sub3A_968 : vector<16xf32>
      %add3A_973 = arith.addf %add3A_947, %max3A_972 : vector<16xf32>
      %get3A_974 = arith.index_cast %scan3A_935 : i32 to index
      %get3A_975 = arith.constant 80 : index
      %get3A_976 = tpu.vector_load %arg5[%get3A_974, %get3A_975] {strides = array<i32>} : memref<256x128xf32, #tpu.memory_space<vmem>>, vector<16xf32>,
      %max3A_977 = arith.maximumf %get3A_976, %sub3A_968 : vector<16xf32>
      %add3A_978 = arith.addf %add3A_952, %max3A_977 : vector<16xf32>
      %get3A_979 = arith.index_cast %scan3A_935 : i32 to index
      %get3A_980 = arith.constant 96 : index
      %get3A_981 = tpu.vector_load %arg5[%get3A_979, %get3A_980] {strides = array<i32>} : memref<256x128xf32, #tpu.memory_space<vmem>>, vector<16xf32>,
      %max3A_982 = arith.maximumf %get3A_981, %sub3A_968 : vector<16xf32>
      %add3A_983 = arith.addf %add3A_957, %max3A_982 : vector<16xf32>
      %get3A_984 = arith.index_cast %scan3A_935 : i32 to index
      %get3A_985 = arith.constant 112 : index
      %get3A_986 = tpu.vector_load %arg5[%get3A_984, %get3A_985] {strides = array<i32>} : memref<256x128xf32, #tpu.memory_space<vmem>>, vector<16xf32>,
      %max3A_987 = arith.maximumf %get3A_986, %sub3A_968 : vector<16xf32>
      %add3A_988 = arith.addf %add3A_962, %max3A_987 : vector<16xf32>
      scf.yield %add3A_973, %add3A_978, %add3A_983, %add3A_988 : vector<16xf32>, vector<16xf32>, vector<16xf32>, vector<16xf32>
    }
    %scan3A_48 = arith.constant 128 : i32
    %dma_wait3A_49 = arith.constant 128 : i32
    %dma_wait3A_50 = arith.constant 0 : i32
    %dma_wait3A_51 = tpu.memref_slice %arg5[%dma_wait3A_49, %dma_wait3A_50] : memref<256x128xf32, #tpu.memory_space<vmem>> -> memref<128x128xf32, #tpu.memory_space<vmem>>
    %dma_wait3A_52 = arith.constant 0 : i32
    %dma_wait3A_53 = tpu.memref_slice %arg2[%add3A_17, %dma_wait3A_52] : memref<8192x128xf32, #tpu.memory_space<hbm>> -> memref<128x128xf32, #tpu.memory_space<hbm>>
    %dma_wait3A_54 = arith.constant 128 : i32
    %dma_wait3A_55 = arith.constant 0 : i32
    %dma_wait3A_56 = tpu.memref_slice %arg5[%dma_wait3A_54, %dma_wait3A_55] : memref<256x128xf32, #tpu.memory_space<vmem>> -> memref<128x128xf32, #tpu.memory_space<vmem>>
    %dma_wait3A_57 = arith.constant 0 : i32
    %dma_wait3A_58 = tpu.memref_slice %arg2[%add3A_17, %dma_wait3A_57] : memref<8192x128xf32, #tpu.memory_space<hbm>> -> memref<128x128xf32, #tpu.memory_space<hbm>>
    tpu.wait_dma2 semaphore(%arg9 : memref<!tpu.dma_semaphore, #tpu.memory_space<semaphore_mem>>) src(%dma_wait3A_58 : memref<128x128xf32, #tpu.memory_space<hbm>>) dst(%dma_wait3A_56 : memref<128x128xf32, #tpu.memory_space<vmem>>)
    %scan3A_59 = arith.constant 128 : i32
    %scan3A_60 = arith.constant 128 : i32
    %scan3A_61 = arith.addi %scan3A_59, %scan3A_60 : i32
    %scan3A_62 = arith.constant 2 : i32
    %scan3A_63:4 = scf.for %scan3A_876 = %scan3A_59 to %scan3A_61 step %scan3A_62 iter_args(%scan3A_877 = %scan3A_47#0, %scan3A_878 = %scan3A_47#1, %scan3A_879 = %scan3A_47#2, %scan3A_880 = %scan3A_47#3) -> (vector<16xf32>, vector<16xf32>, vector<16xf32>, vector<16xf32>)  : i32 {
      %broadcast_in_dim3A_881 = vector.broadcast %scan3A_876 : i32 to vector<16xi32>
      %broadcast_in_dim3A_882 = arith.constant 0 : i32
      %broadcast_in_dim3A_883 = vector.broadcast %broadcast_in_dim3A_882 : i32 to vector<16xi32>
      %gather3A_884 = tpu.vector_load_idx %arg5[%broadcast_in_dim3A_881, %broadcast_in_dim3A_883] : memref<256x128xf32, #tpu.memory_space<vmem>>[vector<16xi32>, vector<16xi32>], vector<16xf32>,
      %sub3A_885 = arith.constant 1.000000e+00 : f32
      %sub3A_886 = vector.broadcast %sub3A_885 : f32 to vector<16xf32>
      %sub3A_887 = arith.subf %gather3A_884, %sub3A_886 : vector<16xf32>
      %get3A_888 = arith.index_cast %scan3A_876 : i32 to index
      %get3A_889 = arith.constant 0 : index
      %get3A_890 = tpu.vector_load %arg5[%get3A_888, %get3A_889] {strides = array<i32>} : memref<256x128xf32, #tpu.memory_space<vmem>>, vector<16xf32>,
      %max3A_891 = arith.maximumf %get3A_890, %sub3A_887 : vector<16xf32>
      %add3A_892 = arith.addf %scan3A_877, %max3A_891 : vector<16xf32>
      %get3A_893 = arith.index_cast %scan3A_876 : i32 to index
      %get3A_894 = arith.constant 16 : index
      %get3A_895 = tpu.vector_load %arg5[%get3A_893, %get3A_894] {strides = array<i32>} : memref<256x128xf32, #tpu.memory_space<vmem>>, vector<16xf32>,
      %max3A_896 = arith.maximumf %get3A_895, %sub3A_887 : vector<16xf32>
      %add3A_897 = arith.addf %scan3A_878, %max3A_896 : vector<16xf32>
      %get3A_898 = arith.index_cast %scan3A_876 : i32 to index
      %get3A_899 = arith.constant 32 : index
      %get3A_900 = tpu.vector_load %arg5[%get3A_898, %get3A_899] {strides = array<i32>} : memref<256x128xf32, #tpu.memory_space<vmem>>, vector<16xf32>,
      %max3A_901 = arith.maximumf %get3A_900, %sub3A_887 : vector<16xf32>
      %add3A_902 = arith.addf %scan3A_879, %max3A_901 : vector<16xf32>
      %get3A_903 = arith.index_cast %scan3A_876 : i32 to index
      %get3A_904 = arith.constant 48 : index
      %get3A_905 = tpu.vector_load %arg5[%get3A_903, %get3A_904] {strides = array<i32>} : memref<256x128xf32, #tpu.memory_space<vmem>>, vector<16xf32>,
      %max3A_906 = arith.maximumf %get3A_905, %sub3A_887 : vector<16xf32>
      %add3A_907 = arith.addf %scan3A_880, %max3A_906 : vector<16xf32>
      %broadcast_in_dim3A_908 = arith.constant 64 : i32
      %broadcast_in_dim3A_909 = vector.broadcast %broadcast_in_dim3A_908 : i32 to vector<16xi32>
      %gather3A_910 = tpu.vector_load_idx %arg5[%broadcast_in_dim3A_881, %broadcast_in_dim3A_909] : memref<256x128xf32, #tpu.memory_space<vmem>>[vector<16xi32>, vector<16xi32>], vector<16xf32>,
      %sub3A_911 = arith.constant 1.000000e+00 : f32
      %sub3A_912 = vector.broadcast %sub3A_911 : f32 to vector<16xf32>
      %sub3A_913 = arith.subf %gather3A_910, %sub3A_912 : vector<16xf32>
      %get3A_914 = arith.index_cast %scan3A_876 : i32 to index
      %get3A_915 = arith.constant 64 : index
      %get3A_916 = tpu.vector_load %arg5[%get3A_914, %get3A_915] {strides = array<i32>} : memref<256x128xf32, #tpu.memory_space<vmem>>, vector<16xf32>,
      %max3A_917 = arith.maximumf %get3A_916, %sub3A_913 : vector<16xf32>
      %add3A_918 = arith.addf %add3A_892, %max3A_917 : vector<16xf32>
      %get3A_919 = arith.index_cast %scan3A_876 : i32 to index
      %get3A_920 = arith.constant 80 : index
      %get3A_921 = tpu.vector_load %arg5[%get3A_919, %get3A_920] {strides = array<i32>} : memref<256x128xf32, #tpu.memory_space<vmem>>, vector<16xf32>,
      %max3A_922 = arith.maximumf %get3A_921, %sub3A_913 : vector<16xf32>
      %add3A_923 = arith.addf %add3A_897, %max3A_922 : vector<16xf32>
      %get3A_924 = arith.index_cast %scan3A_876 : i32 to index
      %get3A_925 = arith.constant 96 : index
      %get3A_926 = tpu.vector_load %arg5[%get3A_924, %get3A_925] {strides = array<i32>} : memref<256x128xf32, #tpu.memory_space<vmem>>, vector<16xf32>,
      %max3A_927 = arith.maximumf %get3A_926, %sub3A_913 : vector<16xf32>
      %add3A_928 = arith.addf %add3A_902, %max3A_927 : vector<16xf32>
      %get3A_929 = arith.index_cast %scan3A_876 : i32 to index
      %get3A_930 = arith.constant 112 : index
      %get3A_931 = tpu.vector_load %arg5[%get3A_929, %get3A_930] {strides = array<i32>} : memref<256x128xf32, #tpu.memory_space<vmem>>, vector<16xf32>,
      %max3A_932 = arith.maximumf %get3A_931, %sub3A_913 : vector<16xf32>
      %add3A_933 = arith.addf %add3A_907, %max3A_932 : vector<16xf32>
      %scan3A_934 = arith.constant 1 : i32
      %scan3A_935 = arith.addi %scan3A_876, %scan3A_934 : i32
      %broadcast_in_dim3A_936 = vector.broadcast %scan3A_935 : i32 to vector<16xi32>
      %broadcast_in_dim3A_937 = arith.constant 0 : i32
      %broadcast_in_dim3A_938 = vector.broadcast %broadcast_in_dim3A_937 : i32 to vector<16xi32>
      %gather3A_939 = tpu.vector_load_idx %arg5[%broadcast_in_dim3A_936, %broadcast_in_dim3A_938] : memref<256x128xf32, #tpu.memory_space<vmem>>[vector<16xi32>, vector<16xi32>], vector<16xf32>,
      %sub3A_940 = arith.constant 1.000000e+00 : f32
      %sub3A_941 = vector.broadcast %sub3A_940 : f32 to vector<16xf32>
      %sub3A_942 = arith.subf %gather3A_939, %sub3A_941 : vector<16xf32>
      %get3A_943 = arith.index_cast %scan3A_935 : i32 to index
      %get3A_944 = arith.constant 0 : index
      %get3A_945 = tpu.vector_load %arg5[%get3A_943, %get3A_944] {strides = array<i32>} : memref<256x128xf32, #tpu.memory_space<vmem>>, vector<16xf32>,
      %max3A_946 = arith.maximumf %get3A_945, %sub3A_942 : vector<16xf32>
      %add3A_947 = arith.addf %add3A_918, %max3A_946 : vector<16xf32>
      %get3A_948 = arith.index_cast %scan3A_935 : i32 to index
      %get3A_949 = arith.constant 16 : index
      %get3A_950 = tpu.vector_load %arg5[%get3A_948, %get3A_949] {strides = array<i32>} : memref<256x128xf32, #tpu.memory_space<vmem>>, vector<16xf32>,
      %max3A_951 = arith.maximumf %get3A_950, %sub3A_942 : vector<16xf32>
      %add3A_952 = arith.addf %add3A_923, %max3A_951 : vector<16xf32>
      %get3A_953 = arith.index_cast %scan3A_935 : i32 to index
      %get3A_954 = arith.constant 32 : index
      %get3A_955 = tpu.vector_load %arg5[%get3A_953, %get3A_954] {strides = array<i32>} : memref<256x128xf32, #tpu.memory_space<vmem>>, vector<16xf32>,
      %max3A_956 = arith.maximumf %get3A_955, %sub3A_942 : vector<16xf32>
      %add3A_957 = arith.addf %add3A_928, %max3A_956 : vector<16xf32>
      %get3A_958 = arith.index_cast %scan3A_935 : i32 to index
      %get3A_959 = arith.constant 48 : index
      %get3A_960 = tpu.vector_load %arg5[%get3A_958, %get3A_959] {strides = array<i32>} : memref<256x128xf32, #tpu.memory_space<vmem>>, vector<16xf32>,
      %max3A_961 = arith.maximumf %get3A_960, %sub3A_942 : vector<16xf32>
      %add3A_962 = arith.addf %add3A_933, %max3A_961 : vector<16xf32>
      %broadcast_in_dim3A_963 = arith.constant 64 : i32
      %broadcast_in_dim3A_964 = vector.broadcast %broadcast_in_dim3A_963 : i32 to vector<16xi32>
      %gather3A_965 = tpu.vector_load_idx %arg5[%broadcast_in_dim3A_936, %broadcast_in_dim3A_964] : memref<256x128xf32, #tpu.memory_space<vmem>>[vector<16xi32>, vector<16xi32>], vector<16xf32>,
      %sub3A_966 = arith.constant 1.000000e+00 : f32
      %sub3A_967 = vector.broadcast %sub3A_966 : f32 to vector<16xf32>
      %sub3A_968 = arith.subf %gather3A_965, %sub3A_967 : vector<16xf32>
      %get3A_969 = arith.index_cast %scan3A_935 : i32 to index
      %get3A_970 = arith.constant 64 : index
      %get3A_971 = tpu.vector_load %arg5[%get3A_969, %get3A_970] {strides = array<i32>} : memref<256x128xf32, #tpu.memory_space<vmem>>, vector<16xf32>,
      %max3A_972 = arith.maximumf %get3A_971, %sub3A_968 : vector<16xf32>
      %add3A_973 = arith.addf %add3A_947, %max3A_972 : vector<16xf32>
      %get3A_974 = arith.index_cast %scan3A_935 : i32 to index
      %get3A_975 = arith.constant 80 : index
      %get3A_976 = tpu.vector_load %arg5[%get3A_974, %get3A_975] {strides = array<i32>} : memref<256x128xf32, #tpu.memory_space<vmem>>, vector<16xf32>,
      %max3A_977 = arith.maximumf %get3A_976, %sub3A_968 : vector<16xf32>
      %add3A_978 = arith.addf %add3A_952, %max3A_977 : vector<16xf32>
      %get3A_979 = arith.index_cast %scan3A_935 : i32 to index
      %get3A_980 = arith.constant 96 : index
      %get3A_981 = tpu.vector_load %arg5[%get3A_979, %get3A_980] {strides = array<i32>} : memref<256x128xf32, #tpu.memory_space<vmem>>, vector<16xf32>,
      %max3A_982 = arith.maximumf %get3A_981, %sub3A_968 : vector<16xf32>
      %add3A_983 = arith.addf %add3A_957, %max3A_982 : vector<16xf32>
      %get3A_984 = arith.index_cast %scan3A_935 : i32 to index
      %get3A_985 = arith.constant 112 : index
      %get3A_986 = tpu.vector_load %arg5[%get3A_984, %get3A_985] {strides = array<i32>} : memref<256x128xf32, #tpu.memory_space<vmem>>, vector<16xf32>,
      %max3A_987 = arith.maximumf %get3A_986, %sub3A_968 : vector<16xf32>
      %add3A_988 = arith.addf %add3A_962, %max3A_987 : vector<16xf32>
      scf.yield %add3A_973, %add3A_978, %add3A_983, %add3A_988 : vector<16xf32>, vector<16xf32>, vector<16xf32>, vector<16xf32>
    }
    %scan3A_64 = arith.constant 128 : i32
    %dma_wait3A_65 = arith.constant 0 : i32
    %dma_wait3A_66 = tpu.memref_slice %arg3[%dma_wait3A_65, %mul3A_29] : memref<64x16384xi32, #tpu.memory_space<hbm>> -> memref<8x512xi32, #tpu.memory_space<hbm>>
    %dma_wait3A_67 = arith.constant 0 : i32
    %dma_wait3A_68 = tpu.memref_slice %arg3[%dma_wait3A_67, %mul3A_29] : memref<64x16384xi32, #tpu.memory_space<hbm>> -> memref<8x512xi32, #tpu.memory_space<hbm>>
    tpu.wait_dma2 semaphore(%arg10 : memref<!tpu.dma_semaphore, #tpu.memory_space<semaphore_mem>>) src(%dma_wait3A_68 : memref<8x512xi32, #tpu.memory_space<hbm>>) dst(%arg6 : memref<8x512xi32, #tpu.memory_space<vmem>>)
    %broadcast_in_dim3A_69 = arith.constant 0.000000e+00 : f32
    %broadcast_in_dim3A_70 = vector.broadcast %broadcast_in_dim3A_69 : f32 to vector<16xf32>
    %broadcast_in_dim3A_71 = arith.constant 0.000000e+00 : f32
    %broadcast_in_dim3A_72 = vector.broadcast %broadcast_in_dim3A_71 : f32 to vector<16xf32>
    %add3A_73 = arith.constant 0 : i32
    %add3A_74 = vector.broadcast %add3A_73 : i32 to vector<16xi32>
    %add3A_75 = arith.addi %add3A_74, %iota3A : vector<16xi32>
    %shift_right_logical3A = arith.constant 1 : i32
    %shift_right_logical3A_76 = vector.broadcast %shift_right_logical3A : i32 to vector<16xi32>
    %shift_right_logical3A_77 = arith.shrui %add3A_75, %shift_right_logical3A_76 : vector<16xi32>
    %and3A = arith.constant 1 : i32
    %and3A_78 = vector.broadcast %and3A : i32 to vector<16xi32>
    %and3A_79 = arith.andi %add3A_75, %and3A_78 : vector<16xi32>
    %mul3A_80 = arith.constant 64 : i32
    %mul3A_81 = vector.broadcast %mul3A_80 : i32 to vector<16xi32>
    %mul3A_82 = arith.muli %and3A_79, %mul3A_81 : vector<16xi32>
    %get3A = arith.constant 0 : i32
    %get3A_83 = arith.index_cast %get3A : i32 to index
    %get3A_84 = arith.constant 0 : index
    %get3A_85 = tpu.vector_load %arg6[%get3A_83, %get3A_84] {strides = array<i32>} : memref<8x512xi32, #tpu.memory_space<vmem>>, vector<16xi32>,
    %gather3A = tpu.vector_load_idx %arg5[%shift_right_logical3A_77, %mul3A_82] : memref<256x128xf32, #tpu.memory_space<vmem>>[vector<16xi32>, vector<16xi32>], vector<16xf32>,
    %add3A_86 = arith.addi %mul3A_82, %get3A_85 : vector<16xi32>
    %gather3A_87 = tpu.vector_load_idx %arg5[%shift_right_logical3A_77, %add3A_86] : memref<256x128xf32, #tpu.memory_space<vmem>>[vector<16xi32>, vector<16xi32>], vector<16xf32>,
    %sub3A = arith.constant 1.000000e+00 : f32
    %sub3A_88 = vector.broadcast %sub3A : f32 to vector<16xf32>
    %sub3A_89 = arith.subf %gather3A, %sub3A_88 : vector<16xf32>
    %max3A = arith.maximumf %gather3A_87, %sub3A_89 : vector<16xf32>
    %add3A_90 = arith.addf %broadcast_in_dim3A_70, %max3A : vector<16xf32>
    %add3A_91 = arith.addf %broadcast_in_dim3A_72, %sub3A_89 : vector<16xf32>
    %add3A_92 = arith.constant 16 : i32
    %add3A_93 = vector.broadcast %add3A_92 : i32 to vector<16xi32>
    %add3A_94 = arith.addi %add3A_93, %iota3A : vector<16xi32>
    %shift_right_logical3A_95 = arith.constant 1 : i32
    %shift_right_logical3A_96 = vector.broadcast %shift_right_logical3A_95 : i32 to vector<16xi32>
    %shift_right_logical3A_97 = arith.shrui %add3A_94, %shift_right_logical3A_96 : vector<16xi32>
    %and3A_98 = arith.constant 1 : i32
    %and3A_99 = vector.broadcast %and3A_98 : i32 to vector<16xi32>
    %and3A_100 = arith.andi %add3A_94, %and3A_99 : vector<16xi32>
    %mul3A_101 = arith.constant 64 : i32
    %mul3A_102 = vector.broadcast %mul3A_101 : i32 to vector<16xi32>
    %mul3A_103 = arith.muli %and3A_100, %mul3A_102 : vector<16xi32>
    %get3A_104 = arith.constant 0 : i32
    %get3A_105 = arith.index_cast %get3A_104 : i32 to index
    %get3A_106 = arith.constant 16 : index
    %get3A_107 = tpu.vector_load %arg6[%get3A_105, %get3A_106] {strides = array<i32>} : memref<8x512xi32, #tpu.memory_space<vmem>>, vector<16xi32>,
    %gather3A_108 = tpu.vector_load_idx %arg5[%shift_right_logical3A_97, %mul3A_103] : memref<256x128xf32, #tpu.memory_space<vmem>>[vector<16xi32>, vector<16xi32>], vector<16xf32>,
    %add3A_109 = arith.addi %mul3A_103, %get3A_107 : vector<16xi32>
    %gather3A_110 = tpu.vector_load_idx %arg5[%shift_right_logical3A_97, %add3A_109] : memref<256x128xf32, #tpu.memory_space<vmem>>[vector<16xi32>, vector<16xi32>], vector<16xf32>,
    %sub3A_111 = arith.constant 1.000000e+00 : f32
    %sub3A_112 = vector.broadcast %sub3A_111 : f32 to vector<16xf32>
    %sub3A_113 = arith.subf %gather3A_108, %sub3A_112 : vector<16xf32>
    %max3A_114 = arith.maximumf %gather3A_110, %sub3A_113 : vector<16xf32>
    %add3A_115 = arith.addf %add3A_90, %max3A_114 : vector<16xf32>
    %add3A_116 = arith.addf %add3A_91, %sub3A_113 : vector<16xf32>
    %add3A_117 = arith.constant 32 : i32
    %add3A_118 = vector.broadcast %add3A_117 : i32 to vector<16xi32>
    %add3A_119 = arith.addi %add3A_118, %iota3A : vector<16xi32>
    %shift_right_logical3A_120 = arith.constant 1 : i32
    %shift_right_logical3A_121 = vector.broadcast %shift_right_logical3A_120 : i32 to vector<16xi32>
    %shift_right_logical3A_122 = arith.shrui %add3A_119, %shift_right_logical3A_121 : vector<16xi32>
    %and3A_123 = arith.constant 1 : i32
    %and3A_124 = vector.broadcast %and3A_123 : i32 to vector<16xi32>
    %and3A_125 = arith.andi %add3A_119, %and3A_124 : vector<16xi32>
    %mul3A_126 = arith.constant 64 : i32
    %mul3A_127 = vector.broadcast %mul3A_126 : i32 to vector<16xi32>
    %mul3A_128 = arith.muli %and3A_125, %mul3A_127 : vector<16xi32>
    %get3A_129 = arith.constant 0 : i32
    %get3A_130 = arith.index_cast %get3A_129 : i32 to index
    %get3A_131 = arith.constant 32 : index
    %get3A_132 = tpu.vector_load %arg6[%get3A_130, %get3A_131] {strides = array<i32>} : memref<8x512xi32, #tpu.memory_space<vmem>>, vector<16xi32>,
    %gather3A_133 = tpu.vector_load_idx %arg5[%shift_right_logical3A_122, %mul3A_128] : memref<256x128xf32, #tpu.memory_space<vmem>>[vector<16xi32>, vector<16xi32>], vector<16xf32>,
    %add3A_134 = arith.addi %mul3A_128, %get3A_132 : vector<16xi32>
    %gather3A_135 = tpu.vector_load_idx %arg5[%shift_right_logical3A_122, %add3A_134] : memref<256x128xf32, #tpu.memory_space<vmem>>[vector<16xi32>, vector<16xi32>], vector<16xf32>,
    %sub3A_136 = arith.constant 1.000000e+00 : f32
    %sub3A_137 = vector.broadcast %sub3A_136 : f32 to vector<16xf32>
    %sub3A_138 = arith.subf %gather3A_133, %sub3A_137 : vector<16xf32>
    %max3A_139 = arith.maximumf %gather3A_135, %sub3A_138 : vector<16xf32>
    %add3A_140 = arith.addf %add3A_115, %max3A_139 : vector<16xf32>
    %add3A_141 = arith.addf %add3A_116, %sub3A_138 : vector<16xf32>
    %add3A_142 = arith.constant 48 : i32
    %add3A_143 = vector.broadcast %add3A_142 : i32 to vector<16xi32>
    %add3A_144 = arith.addi %add3A_143, %iota3A : vector<16xi32>
    %shift_right_logical3A_145 = arith.constant 1 : i32
    %shift_right_logical3A_146 = vector.broadcast %shift_right_logical3A_145 : i32 to vector<16xi32>
    %shift_right_logical3A_147 = arith.shrui %add3A_144, %shift_right_logical3A_146 : vector<16xi32>
    %and3A_148 = arith.constant 1 : i32
    %and3A_149 = vector.broadcast %and3A_148 : i32 to vector<16xi32>
    %and3A_150 = arith.andi %add3A_144, %and3A_149 : vector<16xi32>
    %mul3A_151 = arith.constant 64 : i32
    %mul3A_152 = vector.broadcast %mul3A_151 : i32 to vector<16xi32>
    %mul3A_153 = arith.muli %and3A_150, %mul3A_152 : vector<16xi32>
    %get3A_154 = arith.constant 0 : i32
    %get3A_155 = arith.index_cast %get3A_154 : i32 to index
    %get3A_156 = arith.constant 48 : index
    %get3A_157 = tpu.vector_load %arg6[%get3A_155, %get3A_156] {strides = array<i32>} : memref<8x512xi32, #tpu.memory_space<vmem>>, vector<16xi32>,
    %gather3A_158 = tpu.vector_load_idx %arg5[%shift_right_logical3A_147, %mul3A_153] : memref<256x128xf32, #tpu.memory_space<vmem>>[vector<16xi32>, vector<16xi32>], vector<16xf32>,
    %add3A_159 = arith.addi %mul3A_153, %get3A_157 : vector<16xi32>
    %gather3A_160 = tpu.vector_load_idx %arg5[%shift_right_logical3A_147, %add3A_159] : memref<256x128xf32, #tpu.memory_space<vmem>>[vector<16xi32>, vector<16xi32>], vector<16xf32>,
    %sub3A_161 = arith.constant 1.000000e+00 : f32
    %sub3A_162 = vector.broadcast %sub3A_161 : f32 to vector<16xf32>
    %sub3A_163 = arith.subf %gather3A_158, %sub3A_162 : vector<16xf32>
    %max3A_164 = arith.maximumf %gather3A_160, %sub3A_163 : vector<16xf32>
    %add3A_165 = arith.addf %add3A_140, %max3A_164 : vector<16xf32>
    %add3A_166 = arith.addf %add3A_141, %sub3A_163 : vector<16xf32>
    %add3A_167 = arith.constant 64 : i32
    %add3A_168 = vector.broadcast %add3A_167 : i32 to vector<16xi32>
    %add3A_169 = arith.addi %add3A_168, %iota3A : vector<16xi32>
    %shift_right_logical3A_170 = arith.constant 1 : i32
    %shift_right_logical3A_171 = vector.broadcast %shift_right_logical3A_170 : i32 to vector<16xi32>
    %shift_right_logical3A_172 = arith.shrui %add3A_169, %shift_right_logical3A_171 : vector<16xi32>
    %and3A_173 = arith.constant 1 : i32
    %and3A_174 = vector.broadcast %and3A_173 : i32 to vector<16xi32>
    %and3A_175 = arith.andi %add3A_169, %and3A_174 : vector<16xi32>
    %mul3A_176 = arith.constant 64 : i32
    %mul3A_177 = vector.broadcast %mul3A_176 : i32 to vector<16xi32>
    %mul3A_178 = arith.muli %and3A_175, %mul3A_177 : vector<16xi32>
    %get3A_179 = arith.constant 0 : i32
    %get3A_180 = arith.index_cast %get3A_179 : i32 to index
    %get3A_181 = arith.constant 64 : index
    %get3A_182 = tpu.vector_load %arg6[%get3A_180, %get3A_181] {strides = array<i32>} : memref<8x512xi32, #tpu.memory_space<vmem>>, vector<16xi32>,
    %gather3A_183 = tpu.vector_load_idx %arg5[%shift_right_logical3A_172, %mul3A_178] : memref<256x128xf32, #tpu.memory_space<vmem>>[vector<16xi32>, vector<16xi32>], vector<16xf32>,
    %add3A_184 = arith.addi %mul3A_178, %get3A_182 : vector<16xi32>
    %gather3A_185 = tpu.vector_load_idx %arg5[%shift_right_logical3A_172, %add3A_184] : memref<256x128xf32, #tpu.memory_space<vmem>>[vector<16xi32>, vector<16xi32>], vector<16xf32>,
    %sub3A_186 = arith.constant 1.000000e+00 : f32
    %sub3A_187 = vector.broadcast %sub3A_186 : f32 to vector<16xf32>
    %sub3A_188 = arith.subf %gather3A_183, %sub3A_187 : vector<16xf32>
    %max3A_189 = arith.maximumf %gather3A_185, %sub3A_188 : vector<16xf32>
    %add3A_190 = arith.addf %add3A_165, %max3A_189 : vector<16xf32>
    %add3A_191 = arith.addf %add3A_166, %sub3A_188 : vector<16xf32>
    %add3A_192 = arith.constant 80 : i32
    %add3A_193 = vector.broadcast %add3A_192 : i32 to vector<16xi32>
    %add3A_194 = arith.addi %add3A_193, %iota3A : vector<16xi32>
    %shift_right_logical3A_195 = arith.constant 1 : i32
    %shift_right_logical3A_196 = vector.broadcast %shift_right_logical3A_195 : i32 to vector<16xi32>
    %shift_right_logical3A_197 = arith.shrui %add3A_194, %shift_right_logical3A_196 : vector<16xi32>
    %and3A_198 = arith.constant 1 : i32
    %and3A_199 = vector.broadcast %and3A_198 : i32 to vector<16xi32>
    %and3A_200 = arith.andi %add3A_194, %and3A_199 : vector<16xi32>
    %mul3A_201 = arith.constant 64 : i32
    %mul3A_202 = vector.broadcast %mul3A_201 : i32 to vector<16xi32>
    %mul3A_203 = arith.muli %and3A_200, %mul3A_202 : vector<16xi32>
    %get3A_204 = arith.constant 0 : i32
    %get3A_205 = arith.index_cast %get3A_204 : i32 to index
    %get3A_206 = arith.constant 80 : index
    %get3A_207 = tpu.vector_load %arg6[%get3A_205, %get3A_206] {strides = array<i32>} : memref<8x512xi32, #tpu.memory_space<vmem>>, vector<16xi32>,
    %gather3A_208 = tpu.vector_load_idx %arg5[%shift_right_logical3A_197, %mul3A_203] : memref<256x128xf32, #tpu.memory_space<vmem>>[vector<16xi32>, vector<16xi32>], vector<16xf32>,
    %add3A_209 = arith.addi %mul3A_203, %get3A_207 : vector<16xi32>
    %gather3A_210 = tpu.vector_load_idx %arg5[%shift_right_logical3A_197, %add3A_209] : memref<256x128xf32, #tpu.memory_space<vmem>>[vector<16xi32>, vector<16xi32>], vector<16xf32>,
    %sub3A_211 = arith.constant 1.000000e+00 : f32
    %sub3A_212 = vector.broadcast %sub3A_211 : f32 to vector<16xf32>
    %sub3A_213 = arith.subf %gather3A_208, %sub3A_212 : vector<16xf32>
    %max3A_214 = arith.maximumf %gather3A_210, %sub3A_213 : vector<16xf32>
    %add3A_215 = arith.addf %add3A_190, %max3A_214 : vector<16xf32>
    %add3A_216 = arith.addf %add3A_191, %sub3A_213 : vector<16xf32>
    %add3A_217 = arith.constant 96 : i32
    %add3A_218 = vector.broadcast %add3A_217 : i32 to vector<16xi32>
    %add3A_219 = arith.addi %add3A_218, %iota3A : vector<16xi32>
    %shift_right_logical3A_220 = arith.constant 1 : i32
    %shift_right_logical3A_221 = vector.broadcast %shift_right_logical3A_220 : i32 to vector<16xi32>
    %shift_right_logical3A_222 = arith.shrui %add3A_219, %shift_right_logical3A_221 : vector<16xi32>
    %and3A_223 = arith.constant 1 : i32
    %and3A_224 = vector.broadcast %and3A_223 : i32 to vector<16xi32>
    %and3A_225 = arith.andi %add3A_219, %and3A_224 : vector<16xi32>
    %mul3A_226 = arith.constant 64 : i32
    %mul3A_227 = vector.broadcast %mul3A_226 : i32 to vector<16xi32>
    %mul3A_228 = arith.muli %and3A_225, %mul3A_227 : vector<16xi32>
    %get3A_229 = arith.constant 0 : i32
    %get3A_230 = arith.index_cast %get3A_229 : i32 to index
    %get3A_231 = arith.constant 96 : index
    %get3A_232 = tpu.vector_load %arg6[%get3A_230, %get3A_231] {strides = array<i32>} : memref<8x512xi32, #tpu.memory_space<vmem>>, vector<16xi32>,
    %gather3A_233 = tpu.vector_load_idx %arg5[%shift_right_logical3A_222, %mul3A_228] : memref<256x128xf32, #tpu.memory_space<vmem>>[vector<16xi32>, vector<16xi32>], vector<16xf32>,
    %add3A_234 = arith.addi %mul3A_228, %get3A_232 : vector<16xi32>
    %gather3A_235 = tpu.vector_load_idx %arg5[%shift_right_logical3A_222, %add3A_234] : memref<256x128xf32, #tpu.memory_space<vmem>>[vector<16xi32>, vector<16xi32>], vector<16xf32>,
    %sub3A_236 = arith.constant 1.000000e+00 : f32
    %sub3A_237 = vector.broadcast %sub3A_236 : f32 to vector<16xf32>
    %sub3A_238 = arith.subf %gather3A_233, %sub3A_237 : vector<16xf32>
    %max3A_239 = arith.maximumf %gather3A_235, %sub3A_238 : vector<16xf32>
    %add3A_240 = arith.addf %add3A_215, %max3A_239 : vector<16xf32>
    %add3A_241 = arith.addf %add3A_216, %sub3A_238 : vector<16xf32>
    %add3A_242 = arith.constant 112 : i32
    %add3A_243 = vector.broadcast %add3A_242 : i32 to vector<16xi32>
    %add3A_244 = arith.addi %add3A_243, %iota3A : vector<16xi32>
    %shift_right_logical3A_245 = arith.constant 1 : i32
    %shift_right_logical3A_246 = vector.broadcast %shift_right_logical3A_245 : i32 to vector<16xi32>
    %shift_right_logical3A_247 = arith.shrui %add3A_244, %shift_right_logical3A_246 : vector<16xi32>
    %and3A_248 = arith.constant 1 : i32
    %and3A_249 = vector.broadcast %and3A_248 : i32 to vector<16xi32>
    %and3A_250 = arith.andi %add3A_244, %and3A_249 : vector<16xi32>
    %mul3A_251 = arith.constant 64 : i32
    %mul3A_252 = vector.broadcast %mul3A_251 : i32 to vector<16xi32>
    %mul3A_253 = arith.muli %and3A_250, %mul3A_252 : vector<16xi32>
    %get3A_254 = arith.constant 0 : i32
    %get3A_255 = arith.index_cast %get3A_254 : i32 to index
    %get3A_256 = arith.constant 112 : index
    %get3A_257 = tpu.vector_load %arg6[%get3A_255, %get3A_256] {strides = array<i32>} : memref<8x512xi32, #tpu.memory_space<vmem>>, vector<16xi32>,
    %gather3A_258 = tpu.vector_load_idx %arg5[%shift_right_logical3A_247, %mul3A_253] : memref<256x128xf32, #tpu.memory_space<vmem>>[vector<16xi32>, vector<16xi32>], vector<16xf32>,
    %add3A_259 = arith.addi %mul3A_253, %get3A_257 : vector<16xi32>
    %gather3A_260 = tpu.vector_load_idx %arg5[%shift_right_logical3A_247, %add3A_259] : memref<256x128xf32, #tpu.memory_space<vmem>>[vector<16xi32>, vector<16xi32>], vector<16xf32>,
    %sub3A_261 = arith.constant 1.000000e+00 : f32
    %sub3A_262 = vector.broadcast %sub3A_261 : f32 to vector<16xf32>
    %sub3A_263 = arith.subf %gather3A_258, %sub3A_262 : vector<16xf32>
    %max3A_264 = arith.maximumf %gather3A_260, %sub3A_263 : vector<16xf32>
    %add3A_265 = arith.addf %add3A_240, %max3A_264 : vector<16xf32>
    %add3A_266 = arith.addf %add3A_241, %sub3A_263 : vector<16xf32>
    %add3A_267 = arith.constant 128 : i32
    %add3A_268 = vector.broadcast %add3A_267 : i32 to vector<16xi32>
    %add3A_269 = arith.addi %add3A_268, %iota3A : vector<16xi32>
    %shift_right_logical3A_270 = arith.constant 1 : i32
    %shift_right_logical3A_271 = vector.broadcast %shift_right_logical3A_270 : i32 to vector<16xi32>
    %shift_right_logical3A_272 = arith.shrui %add3A_269, %shift_right_logical3A_271 : vector<16xi32>
    %and3A_273 = arith.constant 1 : i32
    %and3A_274 = vector.broadcast %and3A_273 : i32 to vector<16xi32>
    %and3A_275 = arith.andi %add3A_269, %and3A_274 : vector<16xi32>
    %mul3A_276 = arith.constant 64 : i32
    %mul3A_277 = vector.broadcast %mul3A_276 : i32 to vector<16xi32>
    %mul3A_278 = arith.muli %and3A_275, %mul3A_277 : vector<16xi32>
    %get3A_279 = arith.constant 0 : i32
    %get3A_280 = arith.index_cast %get3A_279 : i32 to index
    %get3A_281 = arith.constant 128 : index
    %get3A_282 = tpu.vector_load %arg6[%get3A_280, %get3A_281] {strides = array<i32>} : memref<8x512xi32, #tpu.memory_space<vmem>>, vector<16xi32>,
    %gather3A_283 = tpu.vector_load_idx %arg5[%shift_right_logical3A_272, %mul3A_278] : memref<256x128xf32, #tpu.memory_space<vmem>>[vector<16xi32>, vector<16xi32>], vector<16xf32>,
    %add3A_284 = arith.addi %mul3A_278, %get3A_282 : vector<16xi32>
    %gather3A_285 = tpu.vector_load_idx %arg5[%shift_right_logical3A_272, %add3A_284] : memref<256x128xf32, #tpu.memory_space<vmem>>[vector<16xi32>, vector<16xi32>], vector<16xf32>,
    %sub3A_286 = arith.constant 1.000000e+00 : f32
    %sub3A_287 = vector.broadcast %sub3A_286 : f32 to vector<16xf32>
    %sub3A_288 = arith.subf %gather3A_283, %sub3A_287 : vector<16xf32>
    %max3A_289 = arith.maximumf %gather3A_285, %sub3A_288 : vector<16xf32>
    %add3A_290 = arith.addf %add3A_265, %max3A_289 : vector<16xf32>
    %add3A_291 = arith.addf %add3A_266, %sub3A_288 : vector<16xf32>
    %add3A_292 = arith.constant 144 : i32
    %add3A_293 = vector.broadcast %add3A_292 : i32 to vector<16xi32>
    %add3A_294 = arith.addi %add3A_293, %iota3A : vector<16xi32>
    %shift_right_logical3A_295 = arith.constant 1 : i32
    %shift_right_logical3A_296 = vector.broadcast %shift_right_logical3A_295 : i32 to vector<16xi32>
    %shift_right_logical3A_297 = arith.shrui %add3A_294, %shift_right_logical3A_296 : vector<16xi32>
    %and3A_298 = arith.constant 1 : i32
    %and3A_299 = vector.broadcast %and3A_298 : i32 to vector<16xi32>
    %and3A_300 = arith.andi %add3A_294, %and3A_299 : vector<16xi32>
    %mul3A_301 = arith.constant 64 : i32
    %mul3A_302 = vector.broadcast %mul3A_301 : i32 to vector<16xi32>
    %mul3A_303 = arith.muli %and3A_300, %mul3A_302 : vector<16xi32>
    %get3A_304 = arith.constant 0 : i32
    %get3A_305 = arith.index_cast %get3A_304 : i32 to index
    %get3A_306 = arith.constant 144 : index
    %get3A_307 = tpu.vector_load %arg6[%get3A_305, %get3A_306] {strides = array<i32>} : memref<8x512xi32, #tpu.memory_space<vmem>>, vector<16xi32>,
    %gather3A_308 = tpu.vector_load_idx %arg5[%shift_right_logical3A_297, %mul3A_303] : memref<256x128xf32, #tpu.memory_space<vmem>>[vector<16xi32>, vector<16xi32>], vector<16xf32>,
    %add3A_309 = arith.addi %mul3A_303, %get3A_307 : vector<16xi32>
    %gather3A_310 = tpu.vector_load_idx %arg5[%shift_right_logical3A_297, %add3A_309] : memref<256x128xf32, #tpu.memory_space<vmem>>[vector<16xi32>, vector<16xi32>], vector<16xf32>,
    %sub3A_311 = arith.constant 1.000000e+00 : f32
    %sub3A_312 = vector.broadcast %sub3A_311 : f32 to vector<16xf32>
    %sub3A_313 = arith.subf %gather3A_308, %sub3A_312 : vector<16xf32>
    %max3A_314 = arith.maximumf %gather3A_310, %sub3A_313 : vector<16xf32>
    %add3A_315 = arith.addf %add3A_290, %max3A_314 : vector<16xf32>
    %add3A_316 = arith.addf %add3A_291, %sub3A_313 : vector<16xf32>
    %add3A_317 = arith.constant 160 : i32
    %add3A_318 = vector.broadcast %add3A_317 : i32 to vector<16xi32>
    %add3A_319 = arith.addi %add3A_318, %iota3A : vector<16xi32>
    %shift_right_logical3A_320 = arith.constant 1 : i32
    %shift_right_logical3A_321 = vector.broadcast %shift_right_logical3A_320 : i32 to vector<16xi32>
    %shift_right_logical3A_322 = arith.shrui %add3A_319, %shift_right_logical3A_321 : vector<16xi32>
    %and3A_323 = arith.constant 1 : i32
    %and3A_324 = vector.broadcast %and3A_323 : i32 to vector<16xi32>
    %and3A_325 = arith.andi %add3A_319, %and3A_324 : vector<16xi32>
    %mul3A_326 = arith.constant 64 : i32
    %mul3A_327 = vector.broadcast %mul3A_326 : i32 to vector<16xi32>
    %mul3A_328 = arith.muli %and3A_325, %mul3A_327 : vector<16xi32>
    %get3A_329 = arith.constant 0 : i32
    %get3A_330 = arith.index_cast %get3A_329 : i32 to index
    %get3A_331 = arith.constant 160 : index
    %get3A_332 = tpu.vector_load %arg6[%get3A_330, %get3A_331] {strides = array<i32>} : memref<8x512xi32, #tpu.memory_space<vmem>>, vector<16xi32>,
    %gather3A_333 = tpu.vector_load_idx %arg5[%shift_right_logical3A_322, %mul3A_328] : memref<256x128xf32, #tpu.memory_space<vmem>>[vector<16xi32>, vector<16xi32>], vector<16xf32>,
    %add3A_334 = arith.addi %mul3A_328, %get3A_332 : vector<16xi32>
    %gather3A_335 = tpu.vector_load_idx %arg5[%shift_right_logical3A_322, %add3A_334] : memref<256x128xf32, #tpu.memory_space<vmem>>[vector<16xi32>, vector<16xi32>], vector<16xf32>,
    %sub3A_336 = arith.constant 1.000000e+00 : f32
    %sub3A_337 = vector.broadcast %sub3A_336 : f32 to vector<16xf32>
    %sub3A_338 = arith.subf %gather3A_333, %sub3A_337 : vector<16xf32>
    %max3A_339 = arith.maximumf %gather3A_335, %sub3A_338 : vector<16xf32>
    %add3A_340 = arith.addf %add3A_315, %max3A_339 : vector<16xf32>
    %add3A_341 = arith.addf %add3A_316, %sub3A_338 : vector<16xf32>
    %add3A_342 = arith.constant 176 : i32
    %add3A_343 = vector.broadcast %add3A_342 : i32 to vector<16xi32>
    %add3A_344 = arith.addi %add3A_343, %iota3A : vector<16xi32>
    %shift_right_logical3A_345 = arith.constant 1 : i32
    %shift_right_logical3A_346 = vector.broadcast %shift_right_logical3A_345 : i32 to vector<16xi32>
    %shift_right_logical3A_347 = arith.shrui %add3A_344, %shift_right_logical3A_346 : vector<16xi32>
    %and3A_348 = arith.constant 1 : i32
    %and3A_349 = vector.broadcast %and3A_348 : i32 to vector<16xi32>
    %and3A_350 = arith.andi %add3A_344, %and3A_349 : vector<16xi32>
    %mul3A_351 = arith.constant 64 : i32
    %mul3A_352 = vector.broadcast %mul3A_351 : i32 to vector<16xi32>
    %mul3A_353 = arith.muli %and3A_350, %mul3A_352 : vector<16xi32>
    %get3A_354 = arith.constant 0 : i32
    %get3A_355 = arith.index_cast %get3A_354 : i32 to index
    %get3A_356 = arith.constant 176 : index
    %get3A_357 = tpu.vector_load %arg6[%get3A_355, %get3A_356] {strides = array<i32>} : memref<8x512xi32, #tpu.memory_space<vmem>>, vector<16xi32>,
    %gather3A_358 = tpu.vector_load_idx %arg5[%shift_right_logical3A_347, %mul3A_353] : memref<256x128xf32, #tpu.memory_space<vmem>>[vector<16xi32>, vector<16xi32>], vector<16xf32>,
    %add3A_359 = arith.addi %mul3A_353, %get3A_357 : vector<16xi32>
    %gather3A_360 = tpu.vector_load_idx %arg5[%shift_right_logical3A_347, %add3A_359] : memref<256x128xf32, #tpu.memory_space<vmem>>[vector<16xi32>, vector<16xi32>], vector<16xf32>,
    %sub3A_361 = arith.constant 1.000000e+00 : f32
    %sub3A_362 = vector.broadcast %sub3A_361 : f32 to vector<16xf32>
    %sub3A_363 = arith.subf %gather3A_358, %sub3A_362 : vector<16xf32>
    %max3A_364 = arith.maximumf %gather3A_360, %sub3A_363 : vector<16xf32>
    %add3A_365 = arith.addf %add3A_340, %max3A_364 : vector<16xf32>
    %add3A_366 = arith.addf %add3A_341, %sub3A_363 : vector<16xf32>
    %add3A_367 = arith.constant 192 : i32
    %add3A_368 = vector.broadcast %add3A_367 : i32 to vector<16xi32>
    %add3A_369 = arith.addi %add3A_368, %iota3A : vector<16xi32>
    %shift_right_logical3A_370 = arith.constant 1 : i32
    %shift_right_logical3A_371 = vector.broadcast %shift_right_logical3A_370 : i32 to vector<16xi32>
    %shift_right_logical3A_372 = arith.shrui %add3A_369, %shift_right_logical3A_371 : vector<16xi32>
    %and3A_373 = arith.constant 1 : i32
    %and3A_374 = vector.broadcast %and3A_373 : i32 to vector<16xi32>
    %and3A_375 = arith.andi %add3A_369, %and3A_374 : vector<16xi32>
    %mul3A_376 = arith.constant 64 : i32
    %mul3A_377 = vector.broadcast %mul3A_376 : i32 to vector<16xi32>
    %mul3A_378 = arith.muli %and3A_375, %mul3A_377 : vector<16xi32>
    %get3A_379 = arith.constant 0 : i32
    %get3A_380 = arith.index_cast %get3A_379 : i32 to index
    %get3A_381 = arith.constant 192 : index
    %get3A_382 = tpu.vector_load %arg6[%get3A_380, %get3A_381] {strides = array<i32>} : memref<8x512xi32, #tpu.memory_space<vmem>>, vector<16xi32>,
    %gather3A_383 = tpu.vector_load_idx %arg5[%shift_right_logical3A_372, %mul3A_378] : memref<256x128xf32, #tpu.memory_space<vmem>>[vector<16xi32>, vector<16xi32>], vector<16xf32>,
    %add3A_384 = arith.addi %mul3A_378, %get3A_382 : vector<16xi32>
    %gather3A_385 = tpu.vector_load_idx %arg5[%shift_right_logical3A_372, %add3A_384] : memref<256x128xf32, #tpu.memory_space<vmem>>[vector<16xi32>, vector<16xi32>], vector<16xf32>,
    %sub3A_386 = arith.constant 1.000000e+00 : f32
    %sub3A_387 = vector.broadcast %sub3A_386 : f32 to vector<16xf32>
    %sub3A_388 = arith.subf %gather3A_383, %sub3A_387 : vector<16xf32>
    %max3A_389 = arith.maximumf %gather3A_385, %sub3A_388 : vector<16xf32>
    %add3A_390 = arith.addf %add3A_365, %max3A_389 : vector<16xf32>
    %add3A_391 = arith.addf %add3A_366, %sub3A_388 : vector<16xf32>
    %add3A_392 = arith.constant 208 : i32
    %add3A_393 = vector.broadcast %add3A_392 : i32 to vector<16xi32>
    %add3A_394 = arith.addi %add3A_393, %iota3A : vector<16xi32>
    %shift_right_logical3A_395 = arith.constant 1 : i32
    %shift_right_logical3A_396 = vector.broadcast %shift_right_logical3A_395 : i32 to vector<16xi32>
    %shift_right_logical3A_397 = arith.shrui %add3A_394, %shift_right_logical3A_396 : vector<16xi32>
    %and3A_398 = arith.constant 1 : i32
    %and3A_399 = vector.broadcast %and3A_398 : i32 to vector<16xi32>
    %and3A_400 = arith.andi %add3A_394, %and3A_399 : vector<16xi32>
    %mul3A_401 = arith.constant 64 : i32
    %mul3A_402 = vector.broadcast %mul3A_401 : i32 to vector<16xi32>
    %mul3A_403 = arith.muli %and3A_400, %mul3A_402 : vector<16xi32>
    %get3A_404 = arith.constant 0 : i32
    %get3A_405 = arith.index_cast %get3A_404 : i32 to index
    %get3A_406 = arith.constant 208 : index
    %get3A_407 = tpu.vector_load %arg6[%get3A_405, %get3A_406] {strides = array<i32>} : memref<8x512xi32, #tpu.memory_space<vmem>>, vector<16xi32>,
    %gather3A_408 = tpu.vector_load_idx %arg5[%shift_right_logical3A_397, %mul3A_403] : memref<256x128xf32, #tpu.memory_space<vmem>>[vector<16xi32>, vector<16xi32>], vector<16xf32>,
    %add3A_409 = arith.addi %mul3A_403, %get3A_407 : vector<16xi32>
    %gather3A_410 = tpu.vector_load_idx %arg5[%shift_right_logical3A_397, %add3A_409] : memref<256x128xf32, #tpu.memory_space<vmem>>[vector<16xi32>, vector<16xi32>], vector<16xf32>,
    %sub3A_411 = arith.constant 1.000000e+00 : f32
    %sub3A_412 = vector.broadcast %sub3A_411 : f32 to vector<16xf32>
    %sub3A_413 = arith.subf %gather3A_408, %sub3A_412 : vector<16xf32>
    %max3A_414 = arith.maximumf %gather3A_410, %sub3A_413 : vector<16xf32>
    %add3A_415 = arith.addf %add3A_390, %max3A_414 : vector<16xf32>
    %add3A_416 = arith.addf %add3A_391, %sub3A_413 : vector<16xf32>
    %add3A_417 = arith.constant 224 : i32
    %add3A_418 = vector.broadcast %add3A_417 : i32 to vector<16xi32>
    %add3A_419 = arith.addi %add3A_418, %iota3A : vector<16xi32>
    %shift_right_logical3A_420 = arith.constant 1 : i32
    %shift_right_logical3A_421 = vector.broadcast %shift_right_logical3A_420 : i32 to vector<16xi32>
    %shift_right_logical3A_422 = arith.shrui %add3A_419, %shift_right_logical3A_421 : vector<16xi32>
    %and3A_423 = arith.constant 1 : i32
    %and3A_424 = vector.broadcast %and3A_423 : i32 to vector<16xi32>
    %and3A_425 = arith.andi %add3A_419, %and3A_424 : vector<16xi32>
    %mul3A_426 = arith.constant 64 : i32
    %mul3A_427 = vector.broadcast %mul3A_426 : i32 to vector<16xi32>
    %mul3A_428 = arith.muli %and3A_425, %mul3A_427 : vector<16xi32>
    %get3A_429 = arith.constant 0 : i32
    %get3A_430 = arith.index_cast %get3A_429 : i32 to index
    %get3A_431 = arith.constant 224 : index
    %get3A_432 = tpu.vector_load %arg6[%get3A_430, %get3A_431] {strides = array<i32>} : memref<8x512xi32, #tpu.memory_space<vmem>>, vector<16xi32>,
    %gather3A_433 = tpu.vector_load_idx %arg5[%shift_right_logical3A_422, %mul3A_428] : memref<256x128xf32, #tpu.memory_space<vmem>>[vector<16xi32>, vector<16xi32>], vector<16xf32>,
    %add3A_434 = arith.addi %mul3A_428, %get3A_432 : vector<16xi32>
    %gather3A_435 = tpu.vector_load_idx %arg5[%shift_right_logical3A_422, %add3A_434] : memref<256x128xf32, #tpu.memory_space<vmem>>[vector<16xi32>, vector<16xi32>], vector<16xf32>,
    %sub3A_436 = arith.constant 1.000000e+00 : f32
    %sub3A_437 = vector.broadcast %sub3A_436 : f32 to vector<16xf32>
    %sub3A_438 = arith.subf %gather3A_433, %sub3A_437 : vector<16xf32>
    %max3A_439 = arith.maximumf %gather3A_435, %sub3A_438 : vector<16xf32>
    %add3A_440 = arith.addf %add3A_415, %max3A_439 : vector<16xf32>
    %add3A_441 = arith.addf %add3A_416, %sub3A_438 : vector<16xf32>
    %add3A_442 = arith.constant 240 : i32
    %add3A_443 = vector.broadcast %add3A_442 : i32 to vector<16xi32>
    %add3A_444 = arith.addi %add3A_443, %iota3A : vector<16xi32>
    %shift_right_logical3A_445 = arith.constant 1 : i32
    %shift_right_logical3A_446 = vector.broadcast %shift_right_logical3A_445 : i32 to vector<16xi32>
    %shift_right_logical3A_447 = arith.shrui %add3A_444, %shift_right_logical3A_446 : vector<16xi32>
    %and3A_448 = arith.constant 1 : i32
    %and3A_449 = vector.broadcast %and3A_448 : i32 to vector<16xi32>
    %and3A_450 = arith.andi %add3A_444, %and3A_449 : vector<16xi32>
    %mul3A_451 = arith.constant 64 : i32
    %mul3A_452 = vector.broadcast %mul3A_451 : i32 to vector<16xi32>
    %mul3A_453 = arith.muli %and3A_450, %mul3A_452 : vector<16xi32>
    %get3A_454 = arith.constant 0 : i32
    %get3A_455 = arith.index_cast %get3A_454 : i32 to index
    %get3A_456 = arith.constant 240 : index
    %get3A_457 = tpu.vector_load %arg6[%get3A_455, %get3A_456] {strides = array<i32>} : memref<8x512xi32, #tpu.memory_space<vmem>>, vector<16xi32>,
    %gather3A_458 = tpu.vector_load_idx %arg5[%shift_right_logical3A_447, %mul3A_453] : memref<256x128xf32, #tpu.memory_space<vmem>>[vector<16xi32>, vector<16xi32>], vector<16xf32>,
    %add3A_459 = arith.addi %mul3A_453, %get3A_457 : vector<16xi32>
    %gather3A_460 = tpu.vector_load_idx %arg5[%shift_right_logical3A_447, %add3A_459] : memref<256x128xf32, #tpu.memory_space<vmem>>[vector<16xi32>, vector<16xi32>], vector<16xf32>,
    %sub3A_461 = arith.constant 1.000000e+00 : f32
    %sub3A_462 = vector.broadcast %sub3A_461 : f32 to vector<16xf32>
    %sub3A_463 = arith.subf %gather3A_458, %sub3A_462 : vector<16xf32>
    %max3A_464 = arith.maximumf %gather3A_460, %sub3A_463 : vector<16xf32>
    %add3A_465 = arith.addf %add3A_440, %max3A_464 : vector<16xf32>
    %add3A_466 = arith.addf %add3A_441, %sub3A_463 : vector<16xf32>
    %add3A_467 = arith.constant 256 : i32
    %add3A_468 = vector.broadcast %add3A_467 : i32 to vector<16xi32>
    %add3A_469 = arith.addi %add3A_468, %iota3A : vector<16xi32>
    %shift_right_logical3A_470 = arith.constant 1 : i32
    %shift_right_logical3A_471 = vector.broadcast %shift_right_logical3A_470 : i32 to vector<16xi32>
    %shift_right_logical3A_472 = arith.shrui %add3A_469, %shift_right_logical3A_471 : vector<16xi32>
    %and3A_473 = arith.constant 1 : i32
    %and3A_474 = vector.broadcast %and3A_473 : i32 to vector<16xi32>
    %and3A_475 = arith.andi %add3A_469, %and3A_474 : vector<16xi32>
    %mul3A_476 = arith.constant 64 : i32
    %mul3A_477 = vector.broadcast %mul3A_476 : i32 to vector<16xi32>
    %mul3A_478 = arith.muli %and3A_475, %mul3A_477 : vector<16xi32>
    %get3A_479 = arith.constant 0 : i32
    %get3A_480 = arith.index_cast %get3A_479 : i32 to index
    %get3A_481 = arith.constant 256 : index
    %get3A_482 = tpu.vector_load %arg6[%get3A_480, %get3A_481] {strides = array<i32>} : memref<8x512xi32, #tpu.memory_space<vmem>>, vector<16xi32>,
    %gather3A_483 = tpu.vector_load_idx %arg5[%shift_right_logical3A_472, %mul3A_478] : memref<256x128xf32, #tpu.memory_space<vmem>>[vector<16xi32>, vector<16xi32>], vector<16xf32>,
    %add3A_484 = arith.addi %mul3A_478, %get3A_482 : vector<16xi32>
    %gather3A_485 = tpu.vector_load_idx %arg5[%shift_right_logical3A_472, %add3A_484] : memref<256x128xf32, #tpu.memory_space<vmem>>[vector<16xi32>, vector<16xi32>], vector<16xf32>,
    %sub3A_486 = arith.constant 1.000000e+00 : f32
    %sub3A_487 = vector.broadcast %sub3A_486 : f32 to vector<16xf32>
    %sub3A_488 = arith.subf %gather3A_483, %sub3A_487 : vector<16xf32>
    %max3A_489 = arith.maximumf %gather3A_485, %sub3A_488 : vector<16xf32>
    %add3A_490 = arith.addf %add3A_465, %max3A_489 : vector<16xf32>
    %add3A_491 = arith.addf %add3A_466, %sub3A_488 : vector<16xf32>
    %add3A_492 = arith.constant 272 : i32
    %add3A_493 = vector.broadcast %add3A_492 : i32 to vector<16xi32>
    %add3A_494 = arith.addi %add3A_493, %iota3A : vector<16xi32>
    %shift_right_logical3A_495 = arith.constant 1 : i32
    %shift_right_logical3A_496 = vector.broadcast %shift_right_logical3A_495 : i32 to vector<16xi32>
    %shift_right_logical3A_497 = arith.shrui %add3A_494, %shift_right_logical3A_496 : vector<16xi32>
    %and3A_498 = arith.constant 1 : i32
    %and3A_499 = vector.broadcast %and3A_498 : i32 to vector<16xi32>
    %and3A_500 = arith.andi %add3A_494, %and3A_499 : vector<16xi32>
    %mul3A_501 = arith.constant 64 : i32
    %mul3A_502 = vector.broadcast %mul3A_501 : i32 to vector<16xi32>
    %mul3A_503 = arith.muli %and3A_500, %mul3A_502 : vector<16xi32>
    %get3A_504 = arith.constant 0 : i32
    %get3A_505 = arith.index_cast %get3A_504 : i32 to index
    %get3A_506 = arith.constant 272 : index
    %get3A_507 = tpu.vector_load %arg6[%get3A_505, %get3A_506] {strides = array<i32>} : memref<8x512xi32, #tpu.memory_space<vmem>>, vector<16xi32>,
    %gather3A_508 = tpu.vector_load_idx %arg5[%shift_right_logical3A_497, %mul3A_503] : memref<256x128xf32, #tpu.memory_space<vmem>>[vector<16xi32>, vector<16xi32>], vector<16xf32>,
    %add3A_509 = arith.addi %mul3A_503, %get3A_507 : vector<16xi32>
    %gather3A_510 = tpu.vector_load_idx %arg5[%shift_right_logical3A_497, %add3A_509] : memref<256x128xf32, #tpu.memory_space<vmem>>[vector<16xi32>, vector<16xi32>], vector<16xf32>,
    %sub3A_511 = arith.constant 1.000000e+00 : f32
    %sub3A_512 = vector.broadcast %sub3A_511 : f32 to vector<16xf32>
    %sub3A_513 = arith.subf %gather3A_508, %sub3A_512 : vector<16xf32>
    %max3A_514 = arith.maximumf %gather3A_510, %sub3A_513 : vector<16xf32>
    %add3A_515 = arith.addf %add3A_490, %max3A_514 : vector<16xf32>
    %add3A_516 = arith.addf %add3A_491, %sub3A_513 : vector<16xf32>
    %add3A_517 = arith.constant 288 : i32
    %add3A_518 = vector.broadcast %add3A_517 : i32 to vector<16xi32>
    %add3A_519 = arith.addi %add3A_518, %iota3A : vector<16xi32>
    %shift_right_logical3A_520 = arith.constant 1 : i32
    %shift_right_logical3A_521 = vector.broadcast %shift_right_logical3A_520 : i32 to vector<16xi32>
    %shift_right_logical3A_522 = arith.shrui %add3A_519, %shift_right_logical3A_521 : vector<16xi32>
    %and3A_523 = arith.constant 1 : i32
    %and3A_524 = vector.broadcast %and3A_523 : i32 to vector<16xi32>
    %and3A_525 = arith.andi %add3A_519, %and3A_524 : vector<16xi32>
    %mul3A_526 = arith.constant 64 : i32
    %mul3A_527 = vector.broadcast %mul3A_526 : i32 to vector<16xi32>
    %mul3A_528 = arith.muli %and3A_525, %mul3A_527 : vector<16xi32>
    %get3A_529 = arith.constant 0 : i32
    %get3A_530 = arith.index_cast %get3A_529 : i32 to index
    %get3A_531 = arith.constant 288 : index
    %get3A_532 = tpu.vector_load %arg6[%get3A_530, %get3A_531] {strides = array<i32>} : memref<8x512xi32, #tpu.memory_space<vmem>>, vector<16xi32>,
    %gather3A_533 = tpu.vector_load_idx %arg5[%shift_right_logical3A_522, %mul3A_528] : memref<256x128xf32, #tpu.memory_space<vmem>>[vector<16xi32>, vector<16xi32>], vector<16xf32>,
    %add3A_534 = arith.addi %mul3A_528, %get3A_532 : vector<16xi32>
    %gather3A_535 = tpu.vector_load_idx %arg5[%shift_right_logical3A_522, %add3A_534] : memref<256x128xf32, #tpu.memory_space<vmem>>[vector<16xi32>, vector<16xi32>], vector<16xf32>,
    %sub3A_536 = arith.constant 1.000000e+00 : f32
    %sub3A_537 = vector.broadcast %sub3A_536 : f32 to vector<16xf32>
    %sub3A_538 = arith.subf %gather3A_533, %sub3A_537 : vector<16xf32>
    %max3A_539 = arith.maximumf %gather3A_535, %sub3A_538 : vector<16xf32>
    %add3A_540 = arith.addf %add3A_515, %max3A_539 : vector<16xf32>
    %add3A_541 = arith.addf %add3A_516, %sub3A_538 : vector<16xf32>
    %add3A_542 = arith.constant 304 : i32
    %add3A_543 = vector.broadcast %add3A_542 : i32 to vector<16xi32>
    %add3A_544 = arith.addi %add3A_543, %iota3A : vector<16xi32>
    %shift_right_logical3A_545 = arith.constant 1 : i32
    %shift_right_logical3A_546 = vector.broadcast %shift_right_logical3A_545 : i32 to vector<16xi32>
    %shift_right_logical3A_547 = arith.shrui %add3A_544, %shift_right_logical3A_546 : vector<16xi32>
    %and3A_548 = arith.constant 1 : i32
    %and3A_549 = vector.broadcast %and3A_548 : i32 to vector<16xi32>
    %and3A_550 = arith.andi %add3A_544, %and3A_549 : vector<16xi32>
    %mul3A_551 = arith.constant 64 : i32
    %mul3A_552 = vector.broadcast %mul3A_551 : i32 to vector<16xi32>
    %mul3A_553 = arith.muli %and3A_550, %mul3A_552 : vector<16xi32>
    %get3A_554 = arith.constant 0 : i32
    %get3A_555 = arith.index_cast %get3A_554 : i32 to index
    %get3A_556 = arith.constant 304 : index
    %get3A_557 = tpu.vector_load %arg6[%get3A_555, %get3A_556] {strides = array<i32>} : memref<8x512xi32, #tpu.memory_space<vmem>>, vector<16xi32>,
    %gather3A_558 = tpu.vector_load_idx %arg5[%shift_right_logical3A_547, %mul3A_553] : memref<256x128xf32, #tpu.memory_space<vmem>>[vector<16xi32>, vector<16xi32>], vector<16xf32>,
    %add3A_559 = arith.addi %mul3A_553, %get3A_557 : vector<16xi32>
    %gather3A_560 = tpu.vector_load_idx %arg5[%shift_right_logical3A_547, %add3A_559] : memref<256x128xf32, #tpu.memory_space<vmem>>[vector<16xi32>, vector<16xi32>], vector<16xf32>,
    %sub3A_561 = arith.constant 1.000000e+00 : f32
    %sub3A_562 = vector.broadcast %sub3A_561 : f32 to vector<16xf32>
    %sub3A_563 = arith.subf %gather3A_558, %sub3A_562 : vector<16xf32>
    %max3A_564 = arith.maximumf %gather3A_560, %sub3A_563 : vector<16xf32>
    %add3A_565 = arith.addf %add3A_540, %max3A_564 : vector<16xf32>
    %add3A_566 = arith.addf %add3A_541, %sub3A_563 : vector<16xf32>
    %add3A_567 = arith.constant 320 : i32
    %add3A_568 = vector.broadcast %add3A_567 : i32 to vector<16xi32>
    %add3A_569 = arith.addi %add3A_568, %iota3A : vector<16xi32>
    %shift_right_logical3A_570 = arith.constant 1 : i32
    %shift_right_logical3A_571 = vector.broadcast %shift_right_logical3A_570 : i32 to vector<16xi32>
    %shift_right_logical3A_572 = arith.shrui %add3A_569, %shift_right_logical3A_571 : vector<16xi32>
    %and3A_573 = arith.constant 1 : i32
    %and3A_574 = vector.broadcast %and3A_573 : i32 to vector<16xi32>
    %and3A_575 = arith.andi %add3A_569, %and3A_574 : vector<16xi32>
    %mul3A_576 = arith.constant 64 : i32
    %mul3A_577 = vector.broadcast %mul3A_576 : i32 to vector<16xi32>
    %mul3A_578 = arith.muli %and3A_575, %mul3A_577 : vector<16xi32>
    %get3A_579 = arith.constant 0 : i32
    %get3A_580 = arith.index_cast %get3A_579 : i32 to index
    %get3A_581 = arith.constant 320 : index
    %get3A_582 = tpu.vector_load %arg6[%get3A_580, %get3A_581] {strides = array<i32>} : memref<8x512xi32, #tpu.memory_space<vmem>>, vector<16xi32>,
    %gather3A_583 = tpu.vector_load_idx %arg5[%shift_right_logical3A_572, %mul3A_578] : memref<256x128xf32, #tpu.memory_space<vmem>>[vector<16xi32>, vector<16xi32>], vector<16xf32>,
    %add3A_584 = arith.addi %mul3A_578, %get3A_582 : vector<16xi32>
    %gather3A_585 = tpu.vector_load_idx %arg5[%shift_right_logical3A_572, %add3A_584] : memref<256x128xf32, #tpu.memory_space<vmem>>[vector<16xi32>, vector<16xi32>], vector<16xf32>,
    %sub3A_586 = arith.constant 1.000000e+00 : f32
    %sub3A_587 = vector.broadcast %sub3A_586 : f32 to vector<16xf32>
    %sub3A_588 = arith.subf %gather3A_583, %sub3A_587 : vector<16xf32>
    %max3A_589 = arith.maximumf %gather3A_585, %sub3A_588 : vector<16xf32>
    %add3A_590 = arith.addf %add3A_565, %max3A_589 : vector<16xf32>
    %add3A_591 = arith.addf %add3A_566, %sub3A_588 : vector<16xf32>
    %add3A_592 = arith.constant 336 : i32
    %add3A_593 = vector.broadcast %add3A_592 : i32 to vector<16xi32>
    %add3A_594 = arith.addi %add3A_593, %iota3A : vector<16xi32>
    %shift_right_logical3A_595 = arith.constant 1 : i32
    %shift_right_logical3A_596 = vector.broadcast %shift_right_logical3A_595 : i32 to vector<16xi32>
    %shift_right_logical3A_597 = arith.shrui %add3A_594, %shift_right_logical3A_596 : vector<16xi32>
    %and3A_598 = arith.constant 1 : i32
    %and3A_599 = vector.broadcast %and3A_598 : i32 to vector<16xi32>
    %and3A_600 = arith.andi %add3A_594, %and3A_599 : vector<16xi32>
    %mul3A_601 = arith.constant 64 : i32
    %mul3A_602 = vector.broadcast %mul3A_601 : i32 to vector<16xi32>
    %mul3A_603 = arith.muli %and3A_600, %mul3A_602 : vector<16xi32>
    %get3A_604 = arith.constant 0 : i32
    %get3A_605 = arith.index_cast %get3A_604 : i32 to index
    %get3A_606 = arith.constant 336 : index
    %get3A_607 = tpu.vector_load %arg6[%get3A_605, %get3A_606] {strides = array<i32>} : memref<8x512xi32, #tpu.memory_space<vmem>>, vector<16xi32>,
    %gather3A_608 = tpu.vector_load_idx %arg5[%shift_right_logical3A_597, %mul3A_603] : memref<256x128xf32, #tpu.memory_space<vmem>>[vector<16xi32>, vector<16xi32>], vector<16xf32>,
    %add3A_609 = arith.addi %mul3A_603, %get3A_607 : vector<16xi32>
    %gather3A_610 = tpu.vector_load_idx %arg5[%shift_right_logical3A_597, %add3A_609] : memref<256x128xf32, #tpu.memory_space<vmem>>[vector<16xi32>, vector<16xi32>], vector<16xf32>,
    %sub3A_611 = arith.constant 1.000000e+00 : f32
    %sub3A_612 = vector.broadcast %sub3A_611 : f32 to vector<16xf32>
    %sub3A_613 = arith.subf %gather3A_608, %sub3A_612 : vector<16xf32>
    %max3A_614 = arith.maximumf %gather3A_610, %sub3A_613 : vector<16xf32>
    %add3A_615 = arith.addf %add3A_590, %max3A_614 : vector<16xf32>
    %add3A_616 = arith.addf %add3A_591, %sub3A_613 : vector<16xf32>
    %add3A_617 = arith.constant 352 : i32
    %add3A_618 = vector.broadcast %add3A_617 : i32 to vector<16xi32>
    %add3A_619 = arith.addi %add3A_618, %iota3A : vector<16xi32>
    %shift_right_logical3A_620 = arith.constant 1 : i32
    %shift_right_logical3A_621 = vector.broadcast %shift_right_logical3A_620 : i32 to vector<16xi32>
    %shift_right_logical3A_622 = arith.shrui %add3A_619, %shift_right_logical3A_621 : vector<16xi32>
    %and3A_623 = arith.constant 1 : i32
    %and3A_624 = vector.broadcast %and3A_623 : i32 to vector<16xi32>
    %and3A_625 = arith.andi %add3A_619, %and3A_624 : vector<16xi32>
    %mul3A_626 = arith.constant 64 : i32
    %mul3A_627 = vector.broadcast %mul3A_626 : i32 to vector<16xi32>
    %mul3A_628 = arith.muli %and3A_625, %mul3A_627 : vector<16xi32>
    %get3A_629 = arith.constant 0 : i32
    %get3A_630 = arith.index_cast %get3A_629 : i32 to index
    %get3A_631 = arith.constant 352 : index
    %get3A_632 = tpu.vector_load %arg6[%get3A_630, %get3A_631] {strides = array<i32>} : memref<8x512xi32, #tpu.memory_space<vmem>>, vector<16xi32>,
    %gather3A_633 = tpu.vector_load_idx %arg5[%shift_right_logical3A_622, %mul3A_628] : memref<256x128xf32, #tpu.memory_space<vmem>>[vector<16xi32>, vector<16xi32>], vector<16xf32>,
    %add3A_634 = arith.addi %mul3A_628, %get3A_632 : vector<16xi32>
    %gather3A_635 = tpu.vector_load_idx %arg5[%shift_right_logical3A_622, %add3A_634] : memref<256x128xf32, #tpu.memory_space<vmem>>[vector<16xi32>, vector<16xi32>], vector<16xf32>,
    %sub3A_636 = arith.constant 1.000000e+00 : f32
    %sub3A_637 = vector.broadcast %sub3A_636 : f32 to vector<16xf32>
    %sub3A_638 = arith.subf %gather3A_633, %sub3A_637 : vector<16xf32>
    %max3A_639 = arith.maximumf %gather3A_635, %sub3A_638 : vector<16xf32>
    %add3A_640 = arith.addf %add3A_615, %max3A_639 : vector<16xf32>
    %add3A_641 = arith.addf %add3A_616, %sub3A_638 : vector<16xf32>
    %add3A_642 = arith.constant 368 : i32
    %add3A_643 = vector.broadcast %add3A_642 : i32 to vector<16xi32>
    %add3A_644 = arith.addi %add3A_643, %iota3A : vector<16xi32>
    %shift_right_logical3A_645 = arith.constant 1 : i32
    %shift_right_logical3A_646 = vector.broadcast %shift_right_logical3A_645 : i32 to vector<16xi32>
    %shift_right_logical3A_647 = arith.shrui %add3A_644, %shift_right_logical3A_646 : vector<16xi32>
    %and3A_648 = arith.constant 1 : i32
    %and3A_649 = vector.broadcast %and3A_648 : i32 to vector<16xi32>
    %and3A_650 = arith.andi %add3A_644, %and3A_649 : vector<16xi32>
    %mul3A_651 = arith.constant 64 : i32
    %mul3A_652 = vector.broadcast %mul3A_651 : i32 to vector<16xi32>
    %mul3A_653 = arith.muli %and3A_650, %mul3A_652 : vector<16xi32>
    %get3A_654 = arith.constant 0 : i32
    %get3A_655 = arith.index_cast %get3A_654 : i32 to index
    %get3A_656 = arith.constant 368 : index
    %get3A_657 = tpu.vector_load %arg6[%get3A_655, %get3A_656] {strides = array<i32>} : memref<8x512xi32, #tpu.memory_space<vmem>>, vector<16xi32>,
    %gather3A_658 = tpu.vector_load_idx %arg5[%shift_right_logical3A_647, %mul3A_653] : memref<256x128xf32, #tpu.memory_space<vmem>>[vector<16xi32>, vector<16xi32>], vector<16xf32>,
    %add3A_659 = arith.addi %mul3A_653, %get3A_657 : vector<16xi32>
    %gather3A_660 = tpu.vector_load_idx %arg5[%shift_right_logical3A_647, %add3A_659] : memref<256x128xf32, #tpu.memory_space<vmem>>[vector<16xi32>, vector<16xi32>], vector<16xf32>,
    %sub3A_661 = arith.constant 1.000000e+00 : f32
    %sub3A_662 = vector.broadcast %sub3A_661 : f32 to vector<16xf32>
    %sub3A_663 = arith.subf %gather3A_658, %sub3A_662 : vector<16xf32>
    %max3A_664 = arith.maximumf %gather3A_660, %sub3A_663 : vector<16xf32>
    %add3A_665 = arith.addf %add3A_640, %max3A_664 : vector<16xf32>
    %add3A_666 = arith.addf %add3A_641, %sub3A_663 : vector<16xf32>
    %add3A_667 = arith.constant 384 : i32
    %add3A_668 = vector.broadcast %add3A_667 : i32 to vector<16xi32>
    %add3A_669 = arith.addi %add3A_668, %iota3A : vector<16xi32>
    %shift_right_logical3A_670 = arith.constant 1 : i32
    %shift_right_logical3A_671 = vector.broadcast %shift_right_logical3A_670 : i32 to vector<16xi32>
    %shift_right_logical3A_672 = arith.shrui %add3A_669, %shift_right_logical3A_671 : vector<16xi32>
    %and3A_673 = arith.constant 1 : i32
    %and3A_674 = vector.broadcast %and3A_673 : i32 to vector<16xi32>
    %and3A_675 = arith.andi %add3A_669, %and3A_674 : vector<16xi32>
    %mul3A_676 = arith.constant 64 : i32
    %mul3A_677 = vector.broadcast %mul3A_676 : i32 to vector<16xi32>
    %mul3A_678 = arith.muli %and3A_675, %mul3A_677 : vector<16xi32>
    %get3A_679 = arith.constant 0 : i32
    %get3A_680 = arith.index_cast %get3A_679 : i32 to index
    %get3A_681 = arith.constant 384 : index
    %get3A_682 = tpu.vector_load %arg6[%get3A_680, %get3A_681] {strides = array<i32>} : memref<8x512xi32, #tpu.memory_space<vmem>>, vector<16xi32>,
    %gather3A_683 = tpu.vector_load_idx %arg5[%shift_right_logical3A_672, %mul3A_678] : memref<256x128xf32, #tpu.memory_space<vmem>>[vector<16xi32>, vector<16xi32>], vector<16xf32>,
    %add3A_684 = arith.addi %mul3A_678, %get3A_682 : vector<16xi32>
    %gather3A_685 = tpu.vector_load_idx %arg5[%shift_right_logical3A_672, %add3A_684] : memref<256x128xf32, #tpu.memory_space<vmem>>[vector<16xi32>, vector<16xi32>], vector<16xf32>,
    %sub3A_686 = arith.constant 1.000000e+00 : f32
    %sub3A_687 = vector.broadcast %sub3A_686 : f32 to vector<16xf32>
    %sub3A_688 = arith.subf %gather3A_683, %sub3A_687 : vector<16xf32>
    %max3A_689 = arith.maximumf %gather3A_685, %sub3A_688 : vector<16xf32>
    %add3A_690 = arith.addf %add3A_665, %max3A_689 : vector<16xf32>
    %add3A_691 = arith.addf %add3A_666, %sub3A_688 : vector<16xf32>
    %add3A_692 = arith.constant 400 : i32
    %add3A_693 = vector.broadcast %add3A_692 : i32 to vector<16xi32>
    %add3A_694 = arith.addi %add3A_693, %iota3A : vector<16xi32>
    %shift_right_logical3A_695 = arith.constant 1 : i32
    %shift_right_logical3A_696 = vector.broadcast %shift_right_logical3A_695 : i32 to vector<16xi32>
    %shift_right_logical3A_697 = arith.shrui %add3A_694, %shift_right_logical3A_696 : vector<16xi32>
    %and3A_698 = arith.constant 1 : i32
    %and3A_699 = vector.broadcast %and3A_698 : i32 to vector<16xi32>
    %and3A_700 = arith.andi %add3A_694, %and3A_699 : vector<16xi32>
    %mul3A_701 = arith.constant 64 : i32
    %mul3A_702 = vector.broadcast %mul3A_701 : i32 to vector<16xi32>
    %mul3A_703 = arith.muli %and3A_700, %mul3A_702 : vector<16xi32>
    %get3A_704 = arith.constant 0 : i32
    %get3A_705 = arith.index_cast %get3A_704 : i32 to index
    %get3A_706 = arith.constant 400 : index
    %get3A_707 = tpu.vector_load %arg6[%get3A_705, %get3A_706] {strides = array<i32>} : memref<8x512xi32, #tpu.memory_space<vmem>>, vector<16xi32>,
    %gather3A_708 = tpu.vector_load_idx %arg5[%shift_right_logical3A_697, %mul3A_703] : memref<256x128xf32, #tpu.memory_space<vmem>>[vector<16xi32>, vector<16xi32>], vector<16xf32>,
    %add3A_709 = arith.addi %mul3A_703, %get3A_707 : vector<16xi32>
    %gather3A_710 = tpu.vector_load_idx %arg5[%shift_right_logical3A_697, %add3A_709] : memref<256x128xf32, #tpu.memory_space<vmem>>[vector<16xi32>, vector<16xi32>], vector<16xf32>,
    %sub3A_711 = arith.constant 1.000000e+00 : f32
    %sub3A_712 = vector.broadcast %sub3A_711 : f32 to vector<16xf32>
    %sub3A_713 = arith.subf %gather3A_708, %sub3A_712 : vector<16xf32>
    %max3A_714 = arith.maximumf %gather3A_710, %sub3A_713 : vector<16xf32>
    %add3A_715 = arith.addf %add3A_690, %max3A_714 : vector<16xf32>
    %add3A_716 = arith.addf %add3A_691, %sub3A_713 : vector<16xf32>
    %add3A_717 = arith.constant 416 : i32
    %add3A_718 = vector.broadcast %add3A_717 : i32 to vector<16xi32>
    %add3A_719 = arith.addi %add3A_718, %iota3A : vector<16xi32>
    %shift_right_logical3A_720 = arith.constant 1 : i32
    %shift_right_logical3A_721 = vector.broadcast %shift_right_logical3A_720 : i32 to vector<16xi32>
    %shift_right_logical3A_722 = arith.shrui %add3A_719, %shift_right_logical3A_721 : vector<16xi32>
    %and3A_723 = arith.constant 1 : i32
    %and3A_724 = vector.broadcast %and3A_723 : i32 to vector<16xi32>
    %and3A_725 = arith.andi %add3A_719, %and3A_724 : vector<16xi32>
    %mul3A_726 = arith.constant 64 : i32
    %mul3A_727 = vector.broadcast %mul3A_726 : i32 to vector<16xi32>
    %mul3A_728 = arith.muli %and3A_725, %mul3A_727 : vector<16xi32>
    %get3A_729 = arith.constant 0 : i32
    %get3A_730 = arith.index_cast %get3A_729 : i32 to index
    %get3A_731 = arith.constant 416 : index
    %get3A_732 = tpu.vector_load %arg6[%get3A_730, %get3A_731] {strides = array<i32>} : memref<8x512xi32, #tpu.memory_space<vmem>>, vector<16xi32>,
    %gather3A_733 = tpu.vector_load_idx %arg5[%shift_right_logical3A_722, %mul3A_728] : memref<256x128xf32, #tpu.memory_space<vmem>>[vector<16xi32>, vector<16xi32>], vector<16xf32>,
    %add3A_734 = arith.addi %mul3A_728, %get3A_732 : vector<16xi32>
    %gather3A_735 = tpu.vector_load_idx %arg5[%shift_right_logical3A_722, %add3A_734] : memref<256x128xf32, #tpu.memory_space<vmem>>[vector<16xi32>, vector<16xi32>], vector<16xf32>,
    %sub3A_736 = arith.constant 1.000000e+00 : f32
    %sub3A_737 = vector.broadcast %sub3A_736 : f32 to vector<16xf32>
    %sub3A_738 = arith.subf %gather3A_733, %sub3A_737 : vector<16xf32>
    %max3A_739 = arith.maximumf %gather3A_735, %sub3A_738 : vector<16xf32>
    %add3A_740 = arith.addf %add3A_715, %max3A_739 : vector<16xf32>
    %add3A_741 = arith.addf %add3A_716, %sub3A_738 : vector<16xf32>
    %add3A_742 = arith.constant 432 : i32
    %add3A_743 = vector.broadcast %add3A_742 : i32 to vector<16xi32>
    %add3A_744 = arith.addi %add3A_743, %iota3A : vector<16xi32>
    %shift_right_logical3A_745 = arith.constant 1 : i32
    %shift_right_logical3A_746 = vector.broadcast %shift_right_logical3A_745 : i32 to vector<16xi32>
    %shift_right_logical3A_747 = arith.shrui %add3A_744, %shift_right_logical3A_746 : vector<16xi32>
    %and3A_748 = arith.constant 1 : i32
    %and3A_749 = vector.broadcast %and3A_748 : i32 to vector<16xi32>
    %and3A_750 = arith.andi %add3A_744, %and3A_749 : vector<16xi32>
    %mul3A_751 = arith.constant 64 : i32
    %mul3A_752 = vector.broadcast %mul3A_751 : i32 to vector<16xi32>
    %mul3A_753 = arith.muli %and3A_750, %mul3A_752 : vector<16xi32>
    %get3A_754 = arith.constant 0 : i32
    %get3A_755 = arith.index_cast %get3A_754 : i32 to index
    %get3A_756 = arith.constant 432 : index
    %get3A_757 = tpu.vector_load %arg6[%get3A_755, %get3A_756] {strides = array<i32>} : memref<8x512xi32, #tpu.memory_space<vmem>>, vector<16xi32>,
    %gather3A_758 = tpu.vector_load_idx %arg5[%shift_right_logical3A_747, %mul3A_753] : memref<256x128xf32, #tpu.memory_space<vmem>>[vector<16xi32>, vector<16xi32>], vector<16xf32>,
    %add3A_759 = arith.addi %mul3A_753, %get3A_757 : vector<16xi32>
    %gather3A_760 = tpu.vector_load_idx %arg5[%shift_right_logical3A_747, %add3A_759] : memref<256x128xf32, #tpu.memory_space<vmem>>[vector<16xi32>, vector<16xi32>], vector<16xf32>,
    %sub3A_761 = arith.constant 1.000000e+00 : f32
    %sub3A_762 = vector.broadcast %sub3A_761 : f32 to vector<16xf32>
    %sub3A_763 = arith.subf %gather3A_758, %sub3A_762 : vector<16xf32>
    %max3A_764 = arith.maximumf %gather3A_760, %sub3A_763 : vector<16xf32>
    %add3A_765 = arith.addf %add3A_740, %max3A_764 : vector<16xf32>
    %add3A_766 = arith.addf %add3A_741, %sub3A_763 : vector<16xf32>
    %add3A_767 = arith.constant 448 : i32
    %add3A_768 = vector.broadcast %add3A_767 : i32 to vector<16xi32>
    %add3A_769 = arith.addi %add3A_768, %iota3A : vector<16xi32>
    %shift_right_logical3A_770 = arith.constant 1 : i32
    %shift_right_logical3A_771 = vector.broadcast %shift_right_logical3A_770 : i32 to vector<16xi32>
    %shift_right_logical3A_772 = arith.shrui %add3A_769, %shift_right_logical3A_771 : vector<16xi32>
    %and3A_773 = arith.constant 1 : i32
    %and3A_774 = vector.broadcast %and3A_773 : i32 to vector<16xi32>
    %and3A_775 = arith.andi %add3A_769, %and3A_774 : vector<16xi32>
    %mul3A_776 = arith.constant 64 : i32
    %mul3A_777 = vector.broadcast %mul3A_776 : i32 to vector<16xi32>
    %mul3A_778 = arith.muli %and3A_775, %mul3A_777 : vector<16xi32>
    %get3A_779 = arith.constant 0 : i32
    %get3A_780 = arith.index_cast %get3A_779 : i32 to index
    %get3A_781 = arith.constant 448 : index
    %get3A_782 = tpu.vector_load %arg6[%get3A_780, %get3A_781] {strides = array<i32>} : memref<8x512xi32, #tpu.memory_space<vmem>>, vector<16xi32>,
    %gather3A_783 = tpu.vector_load_idx %arg5[%shift_right_logical3A_772, %mul3A_778] : memref<256x128xf32, #tpu.memory_space<vmem>>[vector<16xi32>, vector<16xi32>], vector<16xf32>,
    %add3A_784 = arith.addi %mul3A_778, %get3A_782 : vector<16xi32>
    %gather3A_785 = tpu.vector_load_idx %arg5[%shift_right_logical3A_772, %add3A_784] : memref<256x128xf32, #tpu.memory_space<vmem>>[vector<16xi32>, vector<16xi32>], vector<16xf32>,
    %sub3A_786 = arith.constant 1.000000e+00 : f32
    %sub3A_787 = vector.broadcast %sub3A_786 : f32 to vector<16xf32>
    %sub3A_788 = arith.subf %gather3A_783, %sub3A_787 : vector<16xf32>
    %max3A_789 = arith.maximumf %gather3A_785, %sub3A_788 : vector<16xf32>
    %add3A_790 = arith.addf %add3A_765, %max3A_789 : vector<16xf32>
    %add3A_791 = arith.addf %add3A_766, %sub3A_788 : vector<16xf32>
    %add3A_792 = arith.constant 464 : i32
    %add3A_793 = vector.broadcast %add3A_792 : i32 to vector<16xi32>
    %add3A_794 = arith.addi %add3A_793, %iota3A : vector<16xi32>
    %shift_right_logical3A_795 = arith.constant 1 : i32
    %shift_right_logical3A_796 = vector.broadcast %shift_right_logical3A_795 : i32 to vector<16xi32>
    %shift_right_logical3A_797 = arith.shrui %add3A_794, %shift_right_logical3A_796 : vector<16xi32>
    %and3A_798 = arith.constant 1 : i32
    %and3A_799 = vector.broadcast %and3A_798 : i32 to vector<16xi32>
    %and3A_800 = arith.andi %add3A_794, %and3A_799 : vector<16xi32>
    %mul3A_801 = arith.constant 64 : i32
    %mul3A_802 = vector.broadcast %mul3A_801 : i32 to vector<16xi32>
    %mul3A_803 = arith.muli %and3A_800, %mul3A_802 : vector<16xi32>
    %get3A_804 = arith.constant 0 : i32
    %get3A_805 = arith.index_cast %get3A_804 : i32 to index
    %get3A_806 = arith.constant 464 : index
    %get3A_807 = tpu.vector_load %arg6[%get3A_805, %get3A_806] {strides = array<i32>} : memref<8x512xi32, #tpu.memory_space<vmem>>, vector<16xi32>,
    %gather3A_808 = tpu.vector_load_idx %arg5[%shift_right_logical3A_797, %mul3A_803] : memref<256x128xf32, #tpu.memory_space<vmem>>[vector<16xi32>, vector<16xi32>], vector<16xf32>,
    %add3A_809 = arith.addi %mul3A_803, %get3A_807 : vector<16xi32>
    %gather3A_810 = tpu.vector_load_idx %arg5[%shift_right_logical3A_797, %add3A_809] : memref<256x128xf32, #tpu.memory_space<vmem>>[vector<16xi32>, vector<16xi32>], vector<16xf32>,
    %sub3A_811 = arith.constant 1.000000e+00 : f32
    %sub3A_812 = vector.broadcast %sub3A_811 : f32 to vector<16xf32>
    %sub3A_813 = arith.subf %gather3A_808, %sub3A_812 : vector<16xf32>
    %max3A_814 = arith.maximumf %gather3A_810, %sub3A_813 : vector<16xf32>
    %add3A_815 = arith.addf %add3A_790, %max3A_814 : vector<16xf32>
    %add3A_816 = arith.addf %add3A_791, %sub3A_813 : vector<16xf32>
    %add3A_817 = arith.constant 480 : i32
    %add3A_818 = vector.broadcast %add3A_817 : i32 to vector<16xi32>
    %add3A_819 = arith.addi %add3A_818, %iota3A : vector<16xi32>
    %shift_right_logical3A_820 = arith.constant 1 : i32
    %shift_right_logical3A_821 = vector.broadcast %shift_right_logical3A_820 : i32 to vector<16xi32>
    %shift_right_logical3A_822 = arith.shrui %add3A_819, %shift_right_logical3A_821 : vector<16xi32>
    %and3A_823 = arith.constant 1 : i32
    %and3A_824 = vector.broadcast %and3A_823 : i32 to vector<16xi32>
    %and3A_825 = arith.andi %add3A_819, %and3A_824 : vector<16xi32>
    %mul3A_826 = arith.constant 64 : i32
    %mul3A_827 = vector.broadcast %mul3A_826 : i32 to vector<16xi32>
    %mul3A_828 = arith.muli %and3A_825, %mul3A_827 : vector<16xi32>
    %get3A_829 = arith.constant 0 : i32
    %get3A_830 = arith.index_cast %get3A_829 : i32 to index
    %get3A_831 = arith.constant 480 : index
    %get3A_832 = tpu.vector_load %arg6[%get3A_830, %get3A_831] {strides = array<i32>} : memref<8x512xi32, #tpu.memory_space<vmem>>, vector<16xi32>,
    %gather3A_833 = tpu.vector_load_idx %arg5[%shift_right_logical3A_822, %mul3A_828] : memref<256x128xf32, #tpu.memory_space<vmem>>[vector<16xi32>, vector<16xi32>], vector<16xf32>,
    %add3A_834 = arith.addi %mul3A_828, %get3A_832 : vector<16xi32>
    %gather3A_835 = tpu.vector_load_idx %arg5[%shift_right_logical3A_822, %add3A_834] : memref<256x128xf32, #tpu.memory_space<vmem>>[vector<16xi32>, vector<16xi32>], vector<16xf32>,
    %sub3A_836 = arith.constant 1.000000e+00 : f32
    %sub3A_837 = vector.broadcast %sub3A_836 : f32 to vector<16xf32>
    %sub3A_838 = arith.subf %gather3A_833, %sub3A_837 : vector<16xf32>
    %max3A_839 = arith.maximumf %gather3A_835, %sub3A_838 : vector<16xf32>
    %add3A_840 = arith.addf %add3A_815, %max3A_839 : vector<16xf32>
    %add3A_841 = arith.addf %add3A_816, %sub3A_838 : vector<16xf32>
    %add3A_842 = arith.constant 496 : i32
    %add3A_843 = vector.broadcast %add3A_842 : i32 to vector<16xi32>
    %add3A_844 = arith.addi %add3A_843, %iota3A : vector<16xi32>
    %shift_right_logical3A_845 = arith.constant 1 : i32
    %shift_right_logical3A_846 = vector.broadcast %shift_right_logical3A_845 : i32 to vector<16xi32>
    %shift_right_logical3A_847 = arith.shrui %add3A_844, %shift_right_logical3A_846 : vector<16xi32>
    %and3A_848 = arith.constant 1 : i32
    %and3A_849 = vector.broadcast %and3A_848 : i32 to vector<16xi32>
    %and3A_850 = arith.andi %add3A_844, %and3A_849 : vector<16xi32>
    %mul3A_851 = arith.constant 64 : i32
    %mul3A_852 = vector.broadcast %mul3A_851 : i32 to vector<16xi32>
    %mul3A_853 = arith.muli %and3A_850, %mul3A_852 : vector<16xi32>
    %get3A_854 = arith.constant 0 : i32
    %get3A_855 = arith.index_cast %get3A_854 : i32 to index
    %get3A_856 = arith.constant 496 : index
    %get3A_857 = tpu.vector_load %arg6[%get3A_855, %get3A_856] {strides = array<i32>} : memref<8x512xi32, #tpu.memory_space<vmem>>, vector<16xi32>,
    %gather3A_858 = tpu.vector_load_idx %arg5[%shift_right_logical3A_847, %mul3A_853] : memref<256x128xf32, #tpu.memory_space<vmem>>[vector<16xi32>, vector<16xi32>], vector<16xf32>,
    %add3A_859 = arith.addi %mul3A_853, %get3A_857 : vector<16xi32>
    %gather3A_860 = tpu.vector_load_idx %arg5[%shift_right_logical3A_847, %add3A_859] : memref<256x128xf32, #tpu.memory_space<vmem>>[vector<16xi32>, vector<16xi32>], vector<16xf32>,
    %sub3A_861 = arith.constant 1.000000e+00 : f32
    %sub3A_862 = vector.broadcast %sub3A_861 : f32 to vector<16xf32>
    %sub3A_863 = arith.subf %gather3A_858, %sub3A_862 : vector<16xf32>
    %max3A_864 = arith.maximumf %gather3A_860, %sub3A_863 : vector<16xf32>
    %add3A_865 = arith.addf %add3A_840, %max3A_864 : vector<16xf32>
    %add3A_866 = arith.addf %add3A_841, %sub3A_863 : vector<16xf32>
    %add3A_867 = arith.addf %scan3A_63#0, %scan3A_63#1 : vector<16xf32>
    %add3A_868 = arith.addf %add3A_867, %scan3A_63#2 : vector<16xf32>
    %add3A_869 = arith.addf %add3A_868, %scan3A_63#3 : vector<16xf32>
    %sub3A_870 = arith.subf %add3A_869, %add3A_865 : vector<16xf32>
    %mul3A_871 = arith.constant 0.0158730168 : f32
    %mul3A_872 = vector.broadcast %mul3A_871 : f32 to vector<16xf32>
    %mul3A_873 = arith.mulf %sub3A_870, %mul3A_872 : vector<16xf32>
    %sub3A_874 = arith.subf %mul3A_873, %add3A_866 : vector<16xf32>
    %swap3A = arith.constant 0 : index
    %swap3A_875 = tpu.vector_load %arg7[%swap3A] {strides = array<i32>} : memref<16xf32, #tpu.memory_space<vmem>>, vector<16xf32>,
    tpu.vector_store %arg7[%swap3A], %sub3A_874 {strides = array<i32>} : memref<16xf32, #tpu.memory_space<vmem>>, vector<16xf32>,
    "tpu.region"() ({
      %run_scoped3A = tpu.sem_alloc : memref<!tpu.dma_semaphore, #tpu.memory_space<semaphore_mem>>
      %dma_start3A_876 = arith.constant 0 : i32
      %dma_start3A_877 = tpu.memref_slice %arg4[%add3A, %dma_start3A_876] : memref<32x16xf32, #tpu.memory_space<hbm>> -> memref<1x16xf32, #tpu.memory_space<hbm>>
      %dma_start3A_878 = tpu.memref_squeeze %dma_start3A_877 : memref<1x16xf32, #tpu.memory_space<hbm>> -> memref<16xf32, #tpu.memory_space<hbm>>
      %dma_start3A_879 = arith.constant 0 : i32
      %dma_start3A_880 = tpu.memref_slice %arg4[%add3A, %dma_start3A_879] : memref<32x16xf32, #tpu.memory_space<hbm>> -> memref<1x16xf32, #tpu.memory_space<hbm>>
      %dma_start3A_881 = tpu.memref_squeeze %dma_start3A_880 : memref<1x16xf32, #tpu.memory_space<hbm>> -> memref<16xf32, #tpu.memory_space<hbm>>
      tpu.enqueue_dma source(%arg7 : memref<16xf32, #tpu.memory_space<vmem>>) target(%dma_start3A_881 : memref<16xf32, #tpu.memory_space<hbm>>) target_semaphore(%run_scoped3A : memref<!tpu.dma_semaphore, #tpu.memory_space<semaphore_mem>>)
      %dma_wait3A_882 = arith.constant 0 : i32
      %dma_wait3A_883 = tpu.memref_slice %arg4[%add3A, %dma_wait3A_882] : memref<32x16xf32, #tpu.memory_space<hbm>> -> memref<1x16xf32, #tpu.memory_space<hbm>>
      %dma_wait3A_884 = tpu.memref_squeeze %dma_wait3A_883 : memref<1x16xf32, #tpu.memory_space<hbm>> -> memref<16xf32, #tpu.memory_space<hbm>>
      %dma_wait3A_885 = arith.constant 0 : i32
      %dma_wait3A_886 = tpu.memref_slice %arg4[%add3A, %dma_wait3A_885] : memref<32x16xf32, #tpu.memory_space<hbm>> -> memref<1x16xf32, #tpu.memory_space<hbm>>
      %dma_wait3A_887 = tpu.memref_squeeze %dma_wait3A_886 : memref<1x16xf32, #tpu.memory_space<hbm>> -> memref<16xf32, #tpu.memory_space<hbm>>
      tpu.wait_dma2 semaphore(%run_scoped3A : memref<!tpu.dma_semaphore, #tpu.memory_space<semaphore_mem>>) src(%arg7 : memref<16xf32, #tpu.memory_space<vmem>>) dst(%dma_wait3A_887 : memref<16xf32, #tpu.memory_space<hbm>>)
      tpu.yield
    }) : () -> ()
    return
  }
}

</mosaic_0001>

<sc_bundles>
// kernel: kernel.3.cloned.1.call-start
scs
__scs_entry_jumppad:
0x0: {  	(pc) =	sbr.rel $0x88, $3  }
0x1: {  	(tag) =	ssettag $0x0;
	lr =	simm.s32 $0x1  }
0x2: {  	[smem:$0x3F9F] =	sst lr;
	_ =	strace $0xD0000000  }
0x3: {  	_ = 	snop  }
0x4: {  	_ = 	snop  }
0x5: {  	_ = 	snop  }
0x6: {  	_ = 	snop  }
0x7: {  	_ = 	snop  }
__scs_overlays_trampoline_lowered:
0x8: {  	[smem:$0x3FAE] =	sst s0  }
0x9: {  	[smem:$0x3FAF] =	sst s1  }
0xa: {  	[smem:$0x3FB0] =	sst s2  }
0xb: {  	[smem:$0x3FB1] =	sst s3  }
0xc: {  	[smem:$0x3FB2] =	sst s4  }
0xd: {  	[smem:$0x3FB3] =	sst s5  }
0xe: {  	[smem:$0x3FB4] =	sst s6  }
0xf: {  	[smem:$0x3FB5] =	sst s7  }
0x10: {  	[smem:$0x3FB6] =	sst s8  }
0x11: {  	[smem:$0x3FB7] =	sst s9;
	s0 =	simm.s32 @!p0 $0x0  }
0x12: {  	s1 =	sld [smem:$0x3F9D];
	s0 =	simm.s32 @p0 $0x1  }
0x13: {  	[smem:$0x3FB8] =	sst s0;
	s0 =	simm.s32 @!p1 $0x0  }
0x14: {  	s2 =	sld [smem:$0x3F9C];
	s0 =	simm.s32 @p1 $0x1  }
0x15: {  	[smem:$0x3FB9] =	sst s0;
	s0 =	simm.s32 @!p2 $0x0  }
0x16: {  	s3 =	sld [smem:$0x3FDB];
	s0 =	simm.s32 @p2 $0x1  }
0x17: {  	s4 =	simm.s32 $0x1BF5;
	[smem:$0x3FBB] =	sst s0  }
0x18: {  	s0 =	sld [smem:$0x3F9E];
	_ =	swait.ge [sflag:s4], $0x0  }
0x19: {  	s7 =	sld [smem:$0x3F9F]  }
0x1a: {  	s8 =	sadd.s32 $0xFFFFE003, lr  }
0x1b: {  	s9 =	sadd.s32 $0xFFFFFEF7, lr;
	s5 =	simm.s32 $0xFFFFFFFF;
	p2 =	slt.u32 s8, $0xFFFFF086  }
0x1c: {  	p1 =	slt.u32 s9, $0xF7A;
	s5 =	simm.s32 @!p2 $0x0  }
0x1d: {  	s5 =	simm.s32 @p1 $0x1;
	p0 =	seq.s32 s7, s2  }
0x1e: {  	s7 =	smul.u32 @!p0 $0xF7A, s2;
	p2 =	seq.s32 @!p0 s5, $0x0  }
0x1f: {  	s9 =	smul.u32 $0xF7A, s1;
	s8 =	simm.s32 @!p0 $0x1BF5;
	p2 =	por !p2, p0  }
0x20: {  	[sflag:s8] =	ssyncset.s32 @!p0 $0xFFFFF086;
	s6 =	sadd.s32 @!p0 s3, s7;
	s7 =	simm.s32 @!p0 $0x108  }
0x21: {  	s3 =	sadd.s32 s3, s9;
	s6 =	sadd.s32 @!p0 $0x88, s6;
	s7 =	simm.s32 @p2 $0x1082  }
0x22: {  	[simem:s7], [sflag:s8] =	dma.local @!p0 [hbm:s6], $0xF7A  }
0x23: {  	s9 =	sor.u32 $0xD0000000, s2;
	s6 =	simm.s32 $0x108;
	_ =	swait.ge @!p0 [sflag:s8], $0x0  }
0x24: {  	s3 =	sadd.s32 $0x88, s3;
	s6 =	simm.s32 @!p1 $0x1082;
	[sflag:s4] =	ssyncset.s32 $0xFFFFF086  }
0x25: {  	[simem:s6], [sflag:s4] =	dma.local [hbm:s3], $0xF7A  }
0x26: {  	[smem:$0x3F9F] =	sst s1;
	(tag) =	ssettag s2;
	_ =	strace s9  }
0x27: {  	s1 =	sld [smem:$0x3FAF]  }
0x28: {  	s2 =	sld [smem:$0x3FB0]  }
0x29: {  	s4 =	sld [smem:$0x3FB2]  }
0x2a: {  	p0 =	seq.s32 s5, $0x0;
	s5 =	sld [smem:$0x3FB3]  }
0x2b: {  	s6 =	sld [smem:$0x3FB4]  }
0x2c: {  	s7 =	sld [smem:$0x3FB5]  }
0x2d: {  	s3 =	simm.s32 $0x108;
	s8 =	sld [smem:$0x3FB6]  }
0x2e: {  	s3 =	simm.s32 @!p0 $0x1082;
	s9 =	sld [smem:$0x3FB7]  }
0x2f: {  	lr =	sadd.s32 s0, s3;
	s0 =	sld [smem:$0x3FAE]  }
0x30: {  	s3 =	sld [smem:$0x3FB1]  }
0x31: {  	[smem:$0x3FBA] =	sst s10  }
0x32: {  	s10 =	sld [smem:$0x3FB8];
	_ =	sdelay $0x3  }
0x33: {  	p0 =	seq.s32 s10, $0x1;
	s10 =	sld [smem:$0x3FBA];
	_ =	sdelay $0x3  }
0x34: {  	[smem:$0x3FBA] =	sst s10  }
0x35: {  	s10 =	sld [smem:$0x3FB9];
	_ =	sdelay $0x3  }
0x36: {  	p1 =	seq.s32 s10, $0x1;
	s10 =	sld [smem:$0x3FBA];
	_ =	sdelay $0x3  }
0x37: {  	[smem:$0x3FBA] =	sst s10  }
0x38: {  	s10 =	sld [smem:$0x3FBB]  }
0x39: {  	_ = 	snop;
	(pc) =	sbr.ind lr, $3  }
0x3a: {  	_ = 	snop  }
0x3b: {  	_ = 	snop  }
0x3c: {  	p2 =	seq.s32 s10, $0x1;
	s10 =	sld [smem:$0x3FBA]  }
0x3d: {  	_ =	shalt  }
0x3e: {  	_ =	shalt  }
0x3f: {  	_ =	shalt  }
0x40: {  	_ =	shalt  }
0x41: {  	_ =	shalt  }
0x42: {  	_ =	shalt  }
0x43: {  	_ =	shalt  }
0x44: {  	_ =	shalt  }
0x45: {  	_ =	shalt  }
0x46: {  	_ =	shalt  }
0x47: {  	_ =	shalt  }
0x48: {  	_ =	shalt  }
0x49: {  	_ =	shalt  }
0x4a: {  	_ =	shalt  }
0x4b: {  	_ =	shalt  }
0x4c: {  	_ =	shalt  }
0x4d: {  	_ =	shalt  }
0x4e: {  	_ =	shalt  }
0x4f: {  	_ =	shalt  }
0x50: {  	_ =	shalt  }
0x51: {  	_ =	shalt  }
0x52: {  	_ =	shalt  }
0x53: {  	_ =	shalt  }
0x54: {  	_ =	shalt  }
0x55: {  	_ =	shalt  }
0x56: {  	_ =	shalt  }
0x57: {  	_ =	shalt  }
0x58: {  	_ =	shalt  }
0x59: {  	_ =	shalt  }
0x5a: {  	_ =	shalt  }
0x5b: {  	_ =	shalt  }
0x5c: {  	_ =	shalt  }
0x5d: {  	_ =	shalt  }
0x5e: {  	_ =	shalt  }
0x5f: {  	_ =	shalt  }
0x60: {  	_ =	shalt  }
0x61: {  	_ =	shalt  }
0x62: {  	_ =	shalt  }
0x63: {  	_ =	shalt  }
0x64: {  	_ =	shalt  }
0x65: {  	_ =	shalt  }
0x66: {  	_ =	shalt  }
0x67: {  	_ =	shalt  }
0x68: {  	_ =	shalt  }
0x69: {  	_ =	shalt  }
0x6a: {  	_ =	shalt  }
0x6b: {  	_ =	shalt  }
0x6c: {  	_ =	shalt  }
0x6d: {  	_ =	shalt  }
0x6e: {  	_ =	shalt  }
0x6f: {  	_ =	shalt  }
0x70: {  	_ =	shalt  }
0x71: {  	_ =	shalt  }
0x72: {  	_ =	shalt  }
0x73: {  	_ =	shalt  }
0x74: {  	_ =	shalt  }
0x75: {  	_ =	shalt  }
0x76: {  	_ =	shalt  }
0x77: {  	_ =	shalt  }
0x78: {  	_ =	shalt  }
0x79: {  	_ =	shalt  }
0x7a: {  	_ =	shalt  }
0x7b: {  	_ =	shalt  }
0x7c: {  	_ =	shalt  }
0x7d: {  	_ =	shalt  }
0x7e: {  	_ =	shalt  }
0x7f: {  	_ =	shalt  }
0x80: {  	_ =	shalt  }
0x81: {  	_ =	shalt  }
0x82: {  	_ =	shalt  }
0x83: {  	_ =	shalt  }
0x84: {  	_ =	shalt  }
0x85: {  	_ =	shalt  }
0x86: {  	_ =	shalt  }
0x87: {  	_ =	shalt  }
.Lfunc_end0:
.L_simem_size_0:
called_computation_lowered:
.L_overlay_start_0:
0x88: {  	s2 =	sld [smem:$0x3FD9]  }
0x89: {  	s3 =	sld [smem:$0x3FFE];
	_ =	sdelay $0x1  }
0x8a: {  	s1 =	srdreg.scid  }
0x8b: {  	s0 =	sand.u32 $0x1, s1  }
0x8c: {  	s17 =	sshll.u32 s0, $0xA;
	s2 =	sadd.s32 s3, s2  }
0x8d: {  	s2 =	sadd.s32 s2, s17  }
0x8e: {  	[smem:$0x3FC6] =	sst s2  }
0x8f: {  	_ = 	snop  }
0x90: {  	s2 =	sld [smem:$0x3FC9]  }
0x91: {  	s18 =	sld [smem:$0x3FC8];
	(tm) =	ssettm $0x1  }
0x92: {  	s4 =	sld [smem:$0x3FFB];
	_ =	sdelay $0x3  }
0x93: {  	_ =	strace s4  }
0x94: {  	s4 =	sld [smem:$0x3FFC];
	_ =	sdelay $0x3  }
0x95: {  	_ =	strace s4  }
0x96: {  	s4 =	sld [smem:$0x3FFD];
	_ =	sdelay $0x3  }
0x97: {  	_ =	strace s4  }
0x98: {  	_ =	strace $0x8FFFFFFF  }
0x99: {  	s19 =	sld [smem:$0x3FDB];
	_ =	sdelay $0x1  }
0x9a: {  	s5 =	simm.s32 $_scs_section_size  }
0x9b: {  	s6 =	simm.s32 $_size__tile_overlayer_lowered;
	s7 =	simm.s32 $_tile_overlayer_lowered  }
0x9c: {  	s22 =	simm.s32 $0x1BFF;
	s21 =	sshll.u32 s7, $0x1;
	s4 =	sadd.s32 s5, s19  }
0x9d: {  	s8 =	simm.s32 $0x0;
	s20 =	sshll.u32 s6, $0x1;
	s6 =	sadd.s32 s21, s4  }
0x9e: {  	[timem:s8], [sflag:s22] =	dma.local [hbm:s6], s20  }
0x9f: {  	_ =	swait.ge [sflag:s22], s20  }
0xa0: {  	s5 =	ssub.s32 $0x0, s20;
	[sflag:s22] =	ssyncset.done $0x0  }
0xa1: {  	[sflag:s22] =	ssyncadd.s32 s5;
	_ =	sdelay $0x1  }
0xa2: {  	s23 =	simm.s32 $0x1B8B  }
0xa3: {  	_ =	swait.ge [sflag:s23], $0x1  }
0xa4: {  	[sflag:s23] =	ssyncset.done $0x0  }
0xa5: {  	s25 =	simm.s32 $0x1B8E;
	s24 =	sld [smem:$0x3FFE];
	[sflag:s23] =	ssyncadd.s32 $0xFFFFFFFF  }
0xa6: {  	s26 =	simm.s32 $execute0_lowered;
	[smem:$0x3FD2] =	sst s25  }
0xa7: {  	s6 =	sshll.u32 s26, $0x1;
	_ =	strace $0x80000046;
	[dreg:$0x1] =	wrdreg $0xFFFFFFFF  }
0xa8: {  	s28 =	simm.s32 $_size_execute0_lowered;
	s4 =	sadd.s32 s4, s6;
	[dreg:$0x0] =	wrdreg $0x0  }
0xa9: {  	s6 =	sshll.u32 s28, $0x1;
	[dreg:$0x2] =	wrdreg s4  }
0xaa: {  	[dreg:$0x3] =	wrdreg s6  }
0xab: {  	[dreg:$0x4] =	wrdreg $0xC0  }
0xac: {  	_ =	task [dreg:s8], $0x5FFFF  }
0xad: {  	[dreg:$0x1] =	wrdreg $0xFFFFFFFF  }
0xae: {  	[dreg:$0x0] =	wrdreg $0x60  }
0xaf: {  	[dreg:$0x2] =	wrdreg s2  }
0xb0: {  	[dreg:$0x3] =	wrdreg s18  }
0xb1: {  	[dreg:$0x4] =	wrdreg s24  }
0xb2: {  	[dreg:$0x5] =	wrdreg $0x9  }
0xb3: {  	_ =	task.clear_ibuf [dreg:s8], $0x6FFFF;
	_ =	strace $0x90000046  }
0xb4: {  	s29 =	simm.s32 $0x9;
	_ =	strace $0x80000048  }
0xb5: {  	_ =	swait.ge [sflag:s29], $0x1  }
0xb6: {  	[sflag:s29] =	ssyncadd.s32 $0xFFFFFFFF  }
0xb7: {  	_ =	strace $0x90000048  }
0xb8: {  	_ =	sfence  }
0xb9: {  	s30 =	sld [smem:$0x0];
	_ =	sdelay $0x2  }
0xba: {  	s31 =	sshll.u32 s1, $0xD;
	s1 =	sshrl.u32 s1, $0x2  }
0xbb: {  	s3 =	sand.u32 $0x4000, s31;
	s1 =	sadd.s32 s1, s30  }
0xbc: {  	s0 =	sor.u32 s3, s0;
	s1 =	sshll.u32 s1, $0x11  }
0xbd: {  	s0 =	sor.u32 s1, s0  }
0xbe: {  	s0 =	sadd.s32 $0x8F2B, s0  }
0xbf: {  	[sflag:s0] =	ssyncadd.remote.s32 $0x1  }
0xc0: {  	_ =	sfence.sel $0xFFFF  }
0xc1: {  	[dreg:$0x0] =	wrdreg $0xFFFFFFFF;
	(pc) =	sbr.abs _section_cstart, $3  }
0xc2: {  	[dreg:$0x1] =	wrdreg $0xFFFFFFFF  }
0xc3: {  	_ =	task.clear_ibuf [dreg:s8], $0x2FFFF;
	_ =	strace $0x9FFFFFFF  }
0xc4: {  	(tm) =	ssettm $0x7FFFFFFF  }
0xc5: {  	_ =	shalt  }
tec
execute0_lowered:
.L_overlay_start_1:
0x0: {  	(tag) =	ssettag $0x1  }
0x1: {  	v0 =	vlaneseq.u32  }
0x2: {  	v0 =	vmul.u32 $0x40, v0;
	_ =	sdelay $0x1  }
0x3: {  	v1 =	vor.u32 $0x400, v0  }
0x4: {  	[tilespmem:$0x1FEA0] =	vst v1;
	v1 =	vor.u32 $0x800, v0  }
0x5: {  	[tilespmem:$0x1FEB0] =	vst v1;
	v1 =	vor.u32 $0xC00, v0  }
0x6: {  	[tilespmem:$0x1FEC0] =	vst v1;
	v1 =	vor.u32 $0x1000, v0  }
0x7: {  	[tilespmem:$0x1FED0] =	vst v1;
	v1 =	vor.u32 $0x1400, v0  }
0x8: {  	[tilespmem:$0x1FEE0] =	vst v1;
	v1 =	vor.u32 $0x1800, v0  }
0x9: {  	[tilespmem:$0x1FEF0] =	vst v1;
	v1 =	vor.u32 $0x1C00, v0  }
0xa: {  	[tilespmem:$0x1FF00] =	vst v1;
	v1 =	vor.u32 $0x2000, v0  }
0xb: {  	[tilespmem:$0x1FF10] =	vst v1;
	v1 =	vor.u32 $0x2400, v0  }
0xc: {  	[tilespmem:$0x1FF20] =	vst v1;
	v1 =	vor.u32 $0x2800, v0  }
0xd: {  	s3 =	rddreg [dreg:$0x0];
	[tilespmem:$0x1FF30] =	vst v1;
	v1 =	vor.u32 $0x2C00, v0  }
0xe: {  	s5 =	rddreg [dreg:$0x1];
	s2 =	srdreg.scid;
	[tilespmem:$0x1FF40] =	vst v1;
	v1 =	vor.u32 $0x3000, v0  }
0xf: {  	s6 =	rddreg [dreg:$0x2];
	s4 =	sand.u32 $0x1, s2;
	s2 =	simm.s32 $0x0;
	[tilespmem:$0x1FF50] =	vst v1;
	v1 =	vor.u32 $0x3400, v0  }
0x10: {  	[smem:$0x7FF] =	sst s2;
	[tilespmem:$0x1FF60] =	vst v1;
	v1 =	vor.u32 $0x3800, v0  }
0x11: {  	s0 =	rddreg [dreg:$0x3];
	_ =	strace $0x80000047;
	[tilespmem:$0x1FF70] =	vst v1;
	v1 =	vor.u32 $0x3C00, v0  }
0x12: {  	s1 =	stileid.u32;
	[tilespmem:$0x1FF80] =	vst v1;
	v1 =	vor.u32 $0x4000, v0  }
0x13: {  	s10 =	simm.s32 $0x1;
	s11 =	simm.s32 $0x2;
	s12 =	simm.s32 $0x3;
	[tilespmem:$0x1FF90] =	vst v1;
	v1 =	vor.u32 $0x4400, v0  }
0x14: {  	s13 =	simm.s32 $0x9000;
	s14 =	simm.s32 $0x4;
	s8 =	sshll.u32 s1, $0x1;
	[tilespmem:$0x1FFA0] =	vst v1;
	v1 =	vor.u32 $0x4800, v0  }
0x15: {  	s15 =	simm.s32 $0x0;
	s7 =	ssub.s32 $0x2, s4;
	s4 =	sor.u32 s4, s8;
	[tilespmem:$0x1FFB0] =	vst v1;
	v1 =	vor.u32 $0x4C00, v0  }
0x16: {  	s9 =	sshrl.u32 s7, $0x1;
	s8 =	sshll.u32 s4, $0xC;
	s30 =	sshll.u32 s4, $0x9;
	v23 =	vor.u32 $0x5C00, v0;
	v24 =	vor.u32 $0x6000, v0;
	[tilespmem:$0x1FFC0] =	vst v1;
	v1 =	vor.u32 $0x5000, v0  }
0x17: {  	s31 =	sshll.u32 s4, $0x4;
	v25 =	vor.u32 $0x6400, v0;
	v26 =	vor.u32 $0x6800, v0;
	s7 =	ssub.s32 s7, s9;
	s3 =	sadd.s32 s3, s8;
	[tilespmem:$0x1FFD0] =	vst v1;
	v1 =	vor.u32 $0x5400, v0  }
0x18: {  	v27 =	vor.u32 $0x6C00, v0;
	v28 =	vor.u32 $0x7000, v0;
	s5 =	sadd.s32 s5, s30;
	s6 =	sadd.s32 s6, s31;
	s8 =	simm.s32 $0x4000;
	[tilespmem:$0x1FFE0] =	vst v1;
	v1 =	vor.u32 $0x5800, v0  }
0x19: {  	v29 =	vor.u32 $0x7400, v0;
	v30 =	vor.u32 $0x7800, v0;
	v31 =	vor.u32 $0x7C00, v0;
	s9 =	simm.s32 $0x8000;
	s4 =	sadd.s32 $0x800, s3;
	s7 =	smax.u32 s7, $0x1;
	[tilespmem:$0x1FFF0] =	vst v1  }
.LBB2_1:
0x1a: {  	[tilespmem:s2], [sflag:$0x1] =	stream.linear.gather [hbm4b:s3+s2], $0x4000, $0x38;
	[tilespmem:$0x9080] =	vst v63  }
0x1b: {  	_ = 	snop  }
0x1c: {  	[tilespmem:s8], [sflag:$0x2] =	stream.linear.gather [hbm4b:s4+s2], $0x4000, $0x38;
	[tilespmem:$0x9080] =	vst v63  }
0x1d: {  	_ = 	snop  }
0x1e: {  	[tilespmem:s9], [sflag:$0x3] =	stream.linear.gather [hbm4b:s5+s2], $0x1000, $0x38;
	[tilespmem:$0x9080] =	vst v63  }
0x1f: {  	_ =	swait.ge [sflag:s10], $0x4000  }
0x20: {  	[sflag:s10] =	ssyncset.done $0x0  }
0x21: {  	s16 =	simm.s32 $0x80;
	s17 =	simm.s32 $0x0;
	[sflag:s10] =	ssyncadd.s32 $0xFFFFC000  }
0x22: {  	s18 =	simm.s32 $0x80;
	v32 =	vmov s17;
	v35 =	vld [tilespmem:s16+$0x0]  }
0x23: {  	v33 =	vmov s18;
	v36 =	vld [tilespmem:s16+$0x10]  }
0x24: {  	v34 =	vor.u32 $0x40, v32;
	v38 =	vld [tilespmem:s16+$0x20]  }
0x25: {  	v37 =	vor.u32 $0x40, v33;
	v39 =	vld [tilespmem:s16+$0x30]  }
0x26: {  	v40 =	vld [tilespmem:s16+$0xFFFFFF80]  }
0x27: {  	v41 =	vld.idx.msk [tilespmem:v32+s2+$0x0], $0xffff  }
0x28: {  	v42 =	vld.idx.msk [tilespmem:v33+s2+$0x0], $0xffff  }
0x29: {  	v43 =	vld.idx.msk [tilespmem:v34+s2+$0x0], $0xffff  }
0x2a: {  	v44 =	vld.idx.msk [tilespmem:v37+s2+$0x0], $0xffff  }
0x2b: {  	v45 =	vld [tilespmem:s16+$0xFFFFFF90]  }
0x2c: {  	v46 =	vld [tilespmem:s16+$0xFFFFFFA0]  }
0x2d: {  	s30 =	simm.s32 $0x100;
	s31 =	simm.s32 $0x180;
	v47 =	vld [tilespmem:s16+$0xFFFFFFB0]  }
0x2e: {  	v48 =	vimm.f32 $0.0e+00;
	v34 =	vmov s30;
	v32 =	vmov s31;
	v49 =	vld [tilespmem:s16+$0xFFFFFFC0]  }
0x2f: {  	v50 =	vld [tilespmem:s16+$0xFFFFFFD0];
	v33 =	vor.u32 $0x40, v34;
	v41 =	vadd.f32 $-1.000000000e+00, v41;
	v42 =	vadd.f32 $-1.000000000e+00, v42  }
0x30: {  	v51 =	vld [tilespmem:s16+$0xFFFFFFE0];
	v37 =	vor.u32 $0x40, v32;
	v43 =	vadd.f32 $-1.000000000e+00, v43;
	v52 =	vadd.f32 $-1.000000000e+00, v44  }
0x31: {  	v15 =	vld [tilespmem:s16+$0xFFFFFFF0];
	v40 =	vmax.f32 v40, v41;
	v13 =	vmax.f32 v45, v41;
	v14 =	vmax.f32 v46, v41  }
0x32: {  	v17 =	vld [tilespmem:s16+$0x40];
	v41 =	vmax.f32 v47, v41;
	v16 =	vmax.f32 v35, v42;
	v53 =	vmax.f32 v36, v42  }
0x33: {  	v18 =	vld [tilespmem:s16+$0x50];
	v49 =	vmax.f32 v49, v43;
	v54 =	vmax.f32 v38, v42;
	v42 =	vmax.f32 v39, v42  }
0x34: {  	v59 =	vld [tilespmem:s16+$0x70];
	v56 =	vmax.f32 v50, v43;
	v19 =	vadd.f32 v40, v48;
	v55 =	vadd.f32 v13, v48  }
0x35: {  	v57 =	vld [tilespmem:s16+$0x60];
	s16 =	simm.s32 $0x180;
	v58 =	vmax.f32 v51, v43;
	v45 =	vadd.f32 v14, v48;
	v41 =	vadd.f32 v41, v48  }
0x36: {  	v35 =	vld [tilespmem:s16+$0x0];
	v43 =	vmax.f32 v15, v43;
	v49 =	vadd.f32 v49, v19;
	v40 =	vadd.f32 v56, v55  }
0x37: {  	v38 =	vld [tilespmem:s16+$0x10];
	v61 =	vmax.f32 v17, v52;
	v60 =	vadd.f32 v58, v45;
	v41 =	vadd.f32 v43, v41  }
0x38: {  	v36 =	vld [tilespmem:s16+$0x20];
	v63 =	vmax.f32 v18, v52;
	v47 =	vadd.f32 v16, v49;
	v62 =	vadd.f32 v53, v40  }
0x39: {  	v39 =	vld [tilespmem:s16+$0x30];
	v46 =	vmax.f32 v59, v52;
	v44 =	vadd.f32 v54, v60;
	v43 =	vadd.f32 v42, v41  }
0x3a: {  	s17 =	simm.s32 $0x4;
	v45 =	vmax.f32 v57, v52;
	v42 =	vld [tilespmem:s16+$0xFFFFFF80];
	v40 =	vadd.f32 v61, v47;
	v41 =	vadd.f32 v63, v62  }
.LBB2_2:
0x3b: {  	p0 =	slt.u32 s17, $0x7E;
	v47 =	vld.idx.msk [tilespmem:v34+s2+$0x0], $0xffff;
	v44 =	vadd.f32 v45, v44;
	v43 =	vadd.f32 v46, v43  }
0x3c: {  	v45 =	vld.idx.msk [tilespmem:v32+s2+$0x0], $0xffff  }
0x3d: {  	v46 =	vld.idx.msk [tilespmem:v33+s2+$0x0], $0xffff  }
0x3e: {  	v48 =	vld.idx.msk [tilespmem:v37+s2+$0x0], $0xffff  }
0x3f: {  	v49 =	vld [tilespmem:s16+$0xFFFFFF90]  }
0x40: {  	s18 =	sshll.u32 s17, $0x7;
	v50 =	vld [tilespmem:s16+$0xFFFFFFA0]  }
0x41: {  	s19 =	sadd.s32 $0x80, s18;
	v51 =	vld [tilespmem:s16+$0xFFFFFFB0]  }
0x42: {  	v34 =	vmov s18;
	v32 =	vmov s19;
	v52 =	vld [tilespmem:s16+$0xFFFFFFC0]  }
0x43: {  	v33 =	vor.u32 $0x40, v34;
	v47 =	vadd.f32 $-1.000000000e+00, v47;
	v45 =	vadd.f32 $-1.000000000e+00, v45;
	v53 =	vld [tilespmem:s16+$0xFFFFFFD0]  }
0x44: {  	v37 =	vor.u32 $0x40, v32;
	v46 =	vadd.f32 $-1.000000000e+00, v46;
	v48 =	vadd.f32 $-1.000000000e+00, v48;
	v54 =	vld [tilespmem:s16+$0xFFFFFFE0]  }
0x45: {  	v42 =	vmax.f32 v42, v47;
	v49 =	vmax.f32 v49, v47;
	v50 =	vmax.f32 v50, v47;
	v55 =	vld [tilespmem:s16+$0xFFFFFFF0]  }
0x46: {  	v56 =	vmax.f32 v38, v45;
	v47 =	vmax.f32 v51, v47;
	v51 =	vmax.f32 v35, v45;
	v57 =	vld [tilespmem:s16+$0x40]  }
0x47: {  	v38 =	vmax.f32 v52, v46;
	v52 =	vmax.f32 v36, v45;
	v45 =	vmax.f32 v39, v45;
	v39 =	vld [tilespmem:s16+$0x50]  }
0x48: {  	v36 =	vadd.f32 v42, v40;
	v40 =	vadd.f32 v49, v41;
	v41 =	vmax.f32 v53, v46;
	v42 =	vld [tilespmem:s16+$0x60]  }
0x49: {  	v44 =	vadd.f32 v50, v44;
	v43 =	vadd.f32 v47, v43;
	v47 =	vmax.f32 v54, v46;
	v49 =	vld [tilespmem:s16+$0x70];
	s16 =	sadd.s32 $0x100, s16  }
.Ltmp0:
0x4a: {  	v50 =	vadd.f32 v38, v36;
	v40 =	vadd.f32 v41, v40;
	v35 =	vld [tilespmem:s16+$0x0];
	v36 =	vmax.f32 v55, v46;
	(pc) =	sbr.rel @p0 .LBB2_2-.Ltmp0, $4  }
0x4b: {  	v41 =	vadd.f32 v47, v44;
	v38 =	vld [tilespmem:s16+$0x10];
	v43 =	vadd.f32 v36, v43;
	v46 =	vmax.f32 v57, v48  }
0x4c: {  	v47 =	vadd.f32 v51, v50;
	v50 =	vadd.f32 v56, v40;
	v36 =	vld [tilespmem:s16+$0x20];
	v51 =	vmax.f32 v39, v48  }
0x4d: {  	v44 =	vadd.f32 v52, v41;
	v39 =	vld [tilespmem:s16+$0x30];
	v43 =	vadd.f32 v45, v43;
	v45 =	vmax.f32 v42, v48  }
0x4e: {  	s17 =	sadd.s32 $0x2, s17;
	v40 =	vadd.f32 v46, v47;
	v41 =	vadd.f32 v51, v50;
	v42 =	vld [tilespmem:s16+$0xFFFFFF80];
	v46 =	vmax.f32 v49, v48  }
0x4f: {  	_ =	sdelay $0x3  }
0x50: {  	v34 =	vld.idx.msk [tilespmem:v34+s2+$0x0], $0xffff  }
0x51: {  	v32 =	vld.idx.msk [tilespmem:v32+s2+$0x0], $0xffff  }
0x52: {  	v33 =	vld.idx.msk [tilespmem:v33+s2+$0x0], $0xffff  }
0x53: {  	v37 =	vld.idx.msk [tilespmem:v37+s2+$0x0], $0xffff  }
0x54: {  	v47 =	vld [tilespmem:s16+$0xFFFFFF90]  }
0x55: {  	v48 =	vld [tilespmem:s16+$0xFFFFFFA0]  }
0x56: {  	v49 =	vld [tilespmem:s16+$0xFFFFFFB0]  }
0x57: {  	v50 =	vld [tilespmem:s16+$0xFFFFFFC0]  }
0x58: {  	v51 =	vld [tilespmem:s16+$0xFFFFFFD0]  }
0x59: {  	v52 =	vld [tilespmem:s16+$0xFFFFFFE0]  }
0x5a: {  	v53 =	vld [tilespmem:s16+$0xFFFFFFF0]  }
0x5b: {  	v54 =	vld [tilespmem:s16+$0x40]  }
0x5c: {  	v55 =	vld [tilespmem:s16+$0x50]  }
0x5d: {  	v56 =	vld [tilespmem:s16+$0x60]  }
0x5e: {  	v57 =	vld [tilespmem:s16+$0x70];
	_ =	swait.ge [sflag:s11], $0x4000  }
0x5f: {  	[sflag:s11] =	ssyncset.done $0x0  }
0x60: {  	s29 =	simm.s32 $0x40F0;
	s17 =	simm.s32 $0x4000;
	[sflag:s11] =	ssyncadd.s32 $0xFFFFC000  }
0x61: {  	v44 =	vadd.f32 v45, v44;
	s18 =	simm.s32 $0x4080;
	v10 =	vmov s17;
	v58 =	vld [tilespmem:s29+$0xFFFFFFA0]  }
0x62: {  	v43 =	vadd.f32 v46, v43;
	v11 =	vmov s18;
	v60 =	vld [tilespmem:s29+$0xFFFFFFB0];
	v34 =	vadd.f32 $-1.000000000e+00, v34  }
0x63: {  	v59 =	vor.u32 $0x40, v10;
	v12 =	vor.u32 $0x40, v11;
	v45 =	vld [tilespmem:s29+$0xFFFFFFC0];
	v32 =	vadd.f32 $-1.000000000e+00, v32  }
0x64: {  	v13 =	vld [tilespmem:s29+$0xFFFFFF10];
	v33 =	vadd.f32 $-1.000000000e+00, v33;
	v37 =	vadd.f32 $-1.000000000e+00, v37;
	v42 =	vmax.f32 v42, v34  }
0x65: {  	v62 =	vld [tilespmem:s29+$0xFFFFFF20];
	v9 =	vmax.f32 v47, v34;
	v48 =	vmax.f32 v48, v34;
	v34 =	vmax.f32 v49, v34  }
0x66: {  	v15 =	vld.idx.msk [tilespmem:v10+s2+$0x0], $0xffff;
	v35 =	vmax.f32 v35, v32;
	v38 =	vmax.f32 v38, v32;
	v50 =	vmax.f32 v50, v33  }
0x67: {  	v4 =	vld [tilespmem:s29+$0xFFFFFF30];
	v36 =	vmax.f32 v36, v32;
	v32 =	vmax.f32 v39, v32;
	v40 =	vadd.f32 v42, v40  }
0x68: {  	v16 =	vmax.f32 v51, v33;
	v49 =	vld.idx.msk [tilespmem:v11+s2+$0x0], $0xffff;
	v41 =	vadd.f32 v9, v41;
	v44 =	vadd.f32 v48, v44  }
0x69: {  	v17 =	vmax.f32 v52, v33;
	v19 =	vld.idx.msk [tilespmem:v59+s2+$0x0], $0xffff;
	v34 =	vadd.f32 v34, v43;
	v14 =	vadd.f32 v50, v40  }
0x6a: {  	v33 =	vmax.f32 v53, v33;
	v42 =	vld.idx.msk [tilespmem:v12+s2+$0x0], $0xffff;
	v41 =	vadd.f32 v16, v41;
	v18 =	vadd.f32 v17, v44  }
0x6b: {  	v6 =	vld [tilespmem:s29+$0xFFFFFF40];
	v59 =	vmax.f32 v54, v37;
	v33 =	vadd.f32 v33, v34;
	v40 =	vadd.f32 $-1.000000000e+00, v15  }
0x6c: {  	v7 =	vld [tilespmem:s29+$0xFFFFFF50];
	v61 =	vmax.f32 v55, v37;
	v35 =	vadd.f32 v35, v14;
	v38 =	vadd.f32 v38, v41  }
0x6d: {  	v47 =	vld [tilespmem:s29+$0xFFFFFF90];
	v63 =	vmax.f32 v56, v37;
	v36 =	vadd.f32 v36, v18;
	v32 =	vadd.f32 v32, v33  }
0x6e: {  	v8 =	vld [tilespmem:s29+$0xFFFFFF60];
	v37 =	vmax.f32 v57, v37;
	v49 =	vadd.f32 $-1.000000000e+00, v49;
	v44 =	vadd.f32 $-1.000000000e+00, v19  }
0x6f: {  	v9 =	vld [tilespmem:s29+$0xFFFFFF70];
	v42 =	vadd.f32 $-1.000000000e+00, v42;
	v48 =	vmax.f32 v13, v40;
	v34 =	vadd.f32 v59, v35  }
0x70: {  	s30 =	simm.s32 $0x4100;
	s31 =	simm.s32 $0x4180;
	v10 =	vld [tilespmem:s29+$0xFFFFFF80];
	v41 =	vmax.f32 v62, v40;
	v5 =	vadd.f32 v61, v38;
	v33 =	vadd.f32 v63, v36  }
0x71: {  	v32 =	vadd.f32 v37, v32;
	v38 =	vmov s30;
	v36 =	vmov s31  }
0x72: {  	v35 =	vmax.f32 v4, v40;
	v40 =	vmax.f32 v6, v40;
	v11 =	vmax.f32 v47, v49  }
0x73: {  	v17 =	vld [tilespmem:s29+$0xFFFFFFF0];
	v12 =	vmax.f32 v58, v49;
	v50 =	vmax.f32 v7, v44;
	v14 =	vmax.f32 v60, v49  }
0x74: {  	v15 =	vld [tilespmem:s29+$0xFFFFFFE0];
	v45 =	vmax.f32 v45, v49;
	v16 =	vmax.f32 v8, v44;
	v18 =	vmax.f32 v9, v44  }
0x75: {  	v13 =	vld [tilespmem:s29+$0xFFFFFFD0];
	v60 =	vmax.f32 v10, v44;
	v34 =	vadd.f32 v48, v34;
	v41 =	vadd.f32 v41, v5  }
0x76: {  	s16 =	simm.s32 $0x41F0;
	v19 =	vld [tilespmem:s29+$0x0];
	v37 =	vor.u32 $0x40, v38;
	v33 =	vadd.f32 v35, v33;
	v40 =	vadd.f32 v40, v32  }
0x77: {  	v49 =	vld [tilespmem:s16+$0xFFFFFF10];
	v39 =	vor.u32 $0x40, v36;
	v34 =	vadd.f32 v50, v34;
	v41 =	vadd.f32 v16, v41  }
0x78: {  	v52 =	vmax.f32 v17, v42;
	v32 =	vld [tilespmem:s16+$0xFFFFFF90];
	v61 =	vadd.f32 v18, v33;
	v40 =	vadd.f32 v60, v40  }
0x79: {  	v35 =	vld [tilespmem:s16+$0xFFFFFFA0];
	v63 =	vmax.f32 v15, v42;
	v46 =	vadd.f32 v11, v34;
	v41 =	vadd.f32 v12, v41  }
0x7a: {  	v62 =	vmax.f32 v13, v42;
	v33 =	vld [tilespmem:s16+$0xFFFFFFB0];
	v51 =	vadd.f32 v14, v61;
	v50 =	vadd.f32 v45, v40  }
0x7b: {  	s17 =	simm.s32 $0x84;
	v53 =	vmax.f32 v19, v42;
	v34 =	vld [tilespmem:s16+$0xFFFFFFC0];
	v45 =	vadd.f32 v62, v46;
	v44 =	vadd.f32 v63, v41  }
.LBB2_4:
0x7c: {  	p0 =	slt.u32 s17, $0xFE;
	v40 =	vld.idx.msk [tilespmem:v38+s2+$0x0], $0xffff;
	v41 =	vadd.f32 v52, v51;
	v42 =	vadd.f32 v53, v50  }
0x7d: {  	v43 =	vld.idx.msk [tilespmem:v36+s2+$0x0], $0xffff  }
0x7e: {  	v46 =	vld.idx.msk [tilespmem:v37+s2+$0x0], $0xffff  }
0x7f: {  	v47 =	vld.idx.msk [tilespmem:v39+s2+$0x0], $0xffff  }
0x80: {  	v48 =	vld [tilespmem:s16+$0xFFFFFF20]  }
0x81: {  	s18 =	sshll.u32 s17, $0x7;
	v50 =	vld [tilespmem:s16+$0xFFFFFF30]  }
0x82: {  	s19 =	sadd.s32 $0x80, s18;
	v51 =	vld [tilespmem:s16+$0xFFFFFF40]  }
0x83: {  	v38 =	vmov s18;
	v36 =	vmov s19;
	v52 =	vld [tilespmem:s16+$0xFFFFFF50]  }
0x84: {  	v37 =	vor.u32 $0x40, v38;
	v40 =	vadd.f32 $-1.000000000e+00, v40;
	v43 =	vadd.f32 $-1.000000000e+00, v43;
	v53 =	vld [tilespmem:s16+$0xFFFFFF60]  }
0x85: {  	v39 =	vor.u32 $0x40, v36;
	v46 =	vadd.f32 $-1.000000000e+00, v46;
	v47 =	vadd.f32 $-1.000000000e+00, v47;
	v54 =	vld [tilespmem:s16+$0xFFFFFF70]  }
0x86: {  	v49 =	vmax.f32 v49, v40;
	v48 =	vmax.f32 v48, v40;
	v50 =	vmax.f32 v50, v40;
	v55 =	vld [tilespmem:s16+$0xFFFFFF80]  }
0x87: {  	v56 =	vmax.f32 v35, v43;
	v40 =	vmax.f32 v51, v40;
	v51 =	vmax.f32 v32, v43;
	v57 =	vld [tilespmem:s16+$0xFFFFFFD0]  }
0x88: {  	v35 =	vmax.f32 v52, v46;
	v52 =	vmax.f32 v33, v43;
	v43 =	vmax.f32 v34, v43;
	v34 =	vld [tilespmem:s16+$0xFFFFFFE0]  }
0x89: {  	v44 =	vadd.f32 v48, v44;
	v33 =	vadd.f32 v49, v45;
	v45 =	vmax.f32 v53, v46;
	v48 =	vld [tilespmem:s16+$0xFFFFFFF0]  }
0x8a: {  	v41 =	vadd.f32 v50, v41;
	v40 =	vadd.f32 v40, v42;
	v42 =	vmax.f32 v54, v46;
	v53 =	vld [tilespmem:s16+$0x0];
	s16 =	sadd.s32 $0x100, s16  }
.Ltmp1:
0x8b: {  	v49 =	vadd.f32 v35, v33;
	v44 =	vadd.f32 v45, v44;
	v32 =	vld [tilespmem:s16+$0xFFFFFF90];
	v33 =	vmax.f32 v55, v46;
	(pc) =	sbr.rel @p0 .LBB2_4-.Ltmp1, $4  }
0x8c: {  	v41 =	vadd.f32 v42, v41;
	v35 =	vld [tilespmem:s16+$0xFFFFFFA0];
	v40 =	vadd.f32 v33, v40;
	v42 =	vmax.f32 v57, v47  }
0x8d: {  	v45 =	vadd.f32 v51, v49;
	v44 =	vadd.f32 v56, v44;
	v33 =	vld [tilespmem:s16+$0xFFFFFFB0];
	v46 =	vmax.f32 v34, v47  }
0x8e: {  	v51 =	vadd.f32 v52, v41;
	v34 =	vld [tilespmem:s16+$0xFFFFFFC0];
	v50 =	vadd.f32 v43, v40;
	v52 =	vmax.f32 v48, v47  }
0x8f: {  	s17 =	sadd.s32 $0x2, s17;
	v45 =	vadd.f32 v42, v45;
	v44 =	vadd.f32 v46, v44;
	v49 =	vld [tilespmem:s16+$0xFFFFFF10];
	v53 =	vmax.f32 v53, v47  }
0x90: {  	_ =	sdelay $0x3  }
0x91: {  	v54 =	vld.idx.msk [tilespmem:v38+s2+$0x0], $0xffff  }
0x92: {  	v41 =	vld.idx.msk [tilespmem:v36+s2+$0x0], $0xffff  }
0x93: {  	v48 =	vld.idx.msk [tilespmem:v37+s2+$0x0], $0xffff  }
0x94: {  	v39 =	vld.idx.msk [tilespmem:v39+s2+$0x0], $0xffff  }
0x95: {  	v55 =	vld [tilespmem:s16+$0xFFFFFF20]  }
0x96: {  	v56 =	vld [tilespmem:s16+$0xFFFFFF30]  }
0x97: {  	v57 =	vld [tilespmem:s16+$0xFFFFFF40]  }
0x98: {  	v47 =	vld [tilespmem:s16+$0xFFFFFF50]  }
0x99: {  	v46 =	vld [tilespmem:s16+$0xFFFFFF60]  }
0x9a: {  	v42 =	vld [tilespmem:s16+$0xFFFFFF70]  }
0x9b: {  	v43 =	vld [tilespmem:s16+$0xFFFFFF80]  }
0x9c: {  	v40 =	vld [tilespmem:s16+$0xFFFFFFD0]  }
0x9d: {  	v38 =	vld [tilespmem:s16+$0xFFFFFFE0]  }
0x9e: {  	v37 =	vld [tilespmem:s16+$0xFFFFFFF0]  }
0x9f: {  	v36 =	vld [tilespmem:s16+$0x0];
	_ =	swait.ge [sflag:s12], $0x1000  }
0xa0: {  	[sflag:s12] =	ssyncset.done $0x0  }
0xa1: {  	[sflag:s12] =	ssyncadd.s32 $0xFFFFF000  }
0xa2: {  	v58 =	vld [tilespmem:$0x8000]  }
0xa3: {  	v1 =	vld [tilespmem:$0x1FEA0]  }
0xa4: {  	v59 =	vld [tilespmem:$0x8010]  }
0xa5: {  	v2 =	vld [tilespmem:$0x1FEB0]  }
0xa6: {  	v4 =	vld [tilespmem:$0x1FEC0]  }
0xa7: {  	v6 =	vld [tilespmem:$0x1FED0];
	v58 =	vadd.s32 v0, v58  }
0xa8: {  	v8 =	vld [tilespmem:$0x1FEE0]  }
0xa9: {  	v22 =	vld [tilespmem:$0x1FF50];
	v59 =	vadd.s32 v1, v59  }
0xaa: {  	v61 =	vld.idx.msk [tilespmem:v0+s2+$0x0], $0xffff  }
0xab: {  	v63 =	vld.idx.msk [tilespmem:v1+s2+$0x0], $0xffff  }
0xac: {  	v58 =	vld.idx.msk [tilespmem:v58+s2+$0x0], $0xffff  }
0xad: {  	v60 =	vld [tilespmem:$0x8020]  }
0xae: {  	v59 =	vld.idx.msk [tilespmem:v59+s2+$0x0], $0xffff  }
0xaf: {  	v10 =	vld [tilespmem:$0x1FEF0];
	v61 =	vadd.f32 $-1.000000000e+00, v61  }
0xb0: {  	v17 =	vld [tilespmem:$0x8440]  }
0xb1: {  	v12 =	vld [tilespmem:$0x1FF00];
	v63 =	vadd.f32 $-1.000000000e+00, v63;
	v58 =	vmax.f32 v58, v61  }
0xb2: {  	v14 =	vld [tilespmem:$0x1FF10];
	v58 =	vadd.f32 $0.0e+00, v58  }
0xb3: {  	v16 =	vld [tilespmem:$0x1FF20];
	v60 =	vadd.s32 v2, v60;
	v59 =	vmax.f32 v59, v63  }
0xb4: {  	v51 =	vadd.f32 v52, v51;
	v52 =	vadd.f32 v59, v58;
	v59 =	vld.idx.msk [tilespmem:v22+s2+$0x0], $0xffff  }
0xb5: {  	v17 =	vadd.s32 v22, v17;
	v22 =	vld [tilespmem:$0x1FF60]  }
0xb6: {  	v2 =	vld.idx.msk [tilespmem:v2+s2+$0x0], $0xffff  }
0xb7: {  	v18 =	vld [tilespmem:$0x1FF30]  }
0xb8: {  	v60 =	vld.idx.msk [tilespmem:v60+s2+$0x0], $0xffff  }
0xb9: {  	v19 =	vld [tilespmem:$0x8450]  }
0xba: {  	v20 =	vld [tilespmem:$0x1FF40]  }
0xbb: {  	v62 =	vld [tilespmem:$0x8030];
	v2 =	vadd.f32 $-1.000000000e+00, v2;
	v58 =	vadd.f32 v63, v61  }
0xbc: {  	v3 =	vld [tilespmem:$0x8050]  }
0xbd: {  	v50 =	vadd.f32 v53, v50;
	v53 =	vmax.f32 v60, v2;
	v2 =	vadd.f32 v2, v58;
	v58 =	vld.idx.msk [tilespmem:v22+s2+$0x0], $0xffff  }
0xbe: {  	v19 =	vadd.s32 v22, v19;
	v22 =	vld [tilespmem:$0x1FF70]  }
0xbf: {  	v5 =	vld [tilespmem:$0x8060]  }
0xc0: {  	v1 =	vld [tilespmem:$0x8040]  }
0xc1: {  	v7 =	vld [tilespmem:$0x8070]  }
0xc2: {  	v21 =	vld [tilespmem:$0x8460]  }
0xc3: {  	v62 =	vadd.s32 v4, v62;
	v4 =	vld.idx.msk [tilespmem:v4+s2+$0x0], $0xffff  }
0xc4: {  	v54 =	vadd.f32 $-1.000000000e+00, v54;
	v3 =	vadd.s32 v8, v3;
	v8 =	vld.idx.msk [tilespmem:v8+s2+$0x0], $0xffff  }
0xc5: {  	v1 =	vadd.s32 v6, v1;
	v6 =	vld.idx.msk [tilespmem:v6+s2+$0x0], $0xffff  }
0xc6: {  	v61 =	vmax.f32 v49, v54;
	v49 =	vld.idx.msk [tilespmem:v22+s2+$0x0], $0xffff  }
0xc7: {  	v21 =	vadd.s32 v22, v21;
	v22 =	vld [tilespmem:$0x1FF80]  }
0xc8: {  	v62 =	vld.idx.msk [tilespmem:v62+s2+$0x0], $0xffff  }
0xc9: {  	v9 =	vld [tilespmem:$0x8400];
	v4 =	vadd.f32 $-1.000000000e+00, v4  }
0xca: {  	v3 =	vld.idx.msk [tilespmem:v3+s2+$0x0], $0xffff  }
0xcb: {  	v60 =	vld [tilespmem:$0x8470];
	v6 =	vadd.f32 $-1.000000000e+00, v6;
	v2 =	vadd.f32 v4, v2  }
0xcc: {  	v11 =	vld [tilespmem:$0x8410]  }
0xcd: {  	v13 =	vld [tilespmem:$0x8420];
	v63 =	vmax.f32 v62, v4;
	v4 =	vadd.f32 $-1.000000000e+00, v8;
	v2 =	vadd.f32 v6, v2  }
0xce: {  	v5 =	vadd.s32 v10, v5;
	v10 =	vld.idx.msk [tilespmem:v10+s2+$0x0], $0xffff  }
0xcf: {  	v3 =	vmax.f32 v3, v4;
	v2 =	vadd.f32 v4, v2;
	v4 =	vld.idx.msk [tilespmem:v22+s2+$0x0], $0xffff  }
0xd0: {  	v62 =	vadd.s32 v22, v60;
	v22 =	vld [tilespmem:$0x1FF90]  }
0xd1: {  	v7 =	vadd.s32 v12, v7;
	v12 =	vld.idx.msk [tilespmem:v12+s2+$0x0], $0xffff  }
0xd2: {  	v1 =	vld.idx.msk [tilespmem:v1+s2+$0x0], $0xffff  }
0xd3: {  	v9 =	vadd.s32 v14, v9;
	v14 =	vld.idx.msk [tilespmem:v14+s2+$0x0], $0xffff  }
0xd4: {  	v52 =	vadd.f32 v53, v52;
	v53 =	vld [tilespmem:$0x8800]  }
0xd5: {  	v5 =	vld.idx.msk [tilespmem:v5+s2+$0x0], $0xffff  }
0xd6: {  	v7 =	vld.idx.msk [tilespmem:v7+s2+$0x0], $0xffff;
	v52 =	vadd.f32 v63, v52  }
0xd7: {  	v1 =	vmax.f32 v1, v6;
	v8 =	vld.idx.msk [tilespmem:v19+s2+$0x0], $0xffff  }
0xd8: {  	v1 =	vadd.f32 v1, v52;
	v52 =	vld.idx.msk [tilespmem:v22+s2+$0x0], $0xffff  }
0xd9: {  	v19 =	vadd.f32 v61, v45;
	v45 =	vadd.s32 v22, v53;
	v22 =	vld [tilespmem:$0x1FFA0]  }
0xda: {  	v15 =	vld [tilespmem:$0x8430];
	v1 =	vadd.f32 v3, v1;
	v3 =	vadd.f32 $-1.000000000e+00, v10  }
0xdb: {  	v11 =	vadd.s32 v16, v11;
	v9 =	vld.idx.msk [tilespmem:v9+s2+$0x0], $0xffff  }
0xdc: {  	v16 =	vld.idx.msk [tilespmem:v16+s2+$0x0], $0xffff;
	v12 =	vadd.f32 $-1.000000000e+00, v12;
	v5 =	vmax.f32 v5, v3  }
0xdd: {  	v63 =	vld [tilespmem:$0x8810];
	v1 =	vadd.f32 v5, v1  }
0xde: {  	v13 =	vadd.s32 v18, v13;
	v18 =	vld.idx.msk [tilespmem:v18+s2+$0x0], $0xffff;
	v14 =	vadd.f32 $-1.000000000e+00, v14;
	v7 =	vmax.f32 v7, v12  }
0xdf: {  	v15 =	vadd.s32 v20, v15;
	v20 =	vld.idx.msk [tilespmem:v20+s2+$0x0], $0xffff;
	v1 =	vadd.f32 v7, v1  }
0xe0: {  	v11 =	vld.idx.msk [tilespmem:v11+s2+$0x0], $0xffff;
	v9 =	vmax.f32 v9, v14  }
0xe1: {  	v1 =	vadd.f32 v9, v1;
	v9 =	vld.idx.msk [tilespmem:v22+s2+$0x0], $0xffff  }
0xe2: {  	v6 =	vadd.s32 v22, v63;
	v22 =	vld [tilespmem:$0x1FFB0]  }
0xe3: {  	v13 =	vld.idx.msk [tilespmem:v13+s2+$0x0], $0xffff  }
0xe4: {  	v15 =	vld.idx.msk [tilespmem:v15+s2+$0x0], $0xffff;
	v61 =	vmax.f32 v56, v54;
	v2 =	vadd.f32 v3, v2  }
0xe5: {  	v17 =	vld.idx.msk [tilespmem:v17+s2+$0x0], $0xffff;
	v5 =	vadd.f32 v61, v51  }
0xe6: {  	v51 =	vadd.f32 $-1.000000000e+00, v16;
	v2 =	vadd.f32 v12, v2;
	v60 =	vld [tilespmem:$0x8820]  }
0xe7: {  	v18 =	vadd.f32 $-1.000000000e+00, v18;
	v61 =	vadd.f32 $-1.000000000e+00, v59;
	v59 =	vld [tilespmem:$0x8C00]  }
0xe8: {  	v11 =	vmax.f32 v11, v51;
	v2 =	vadd.f32 v14, v2;
	v10 =	vld.idx.msk [tilespmem:v21+s2+$0x0], $0xffff  }
0xe9: {  	v56 =	vmax.f32 v13, v18;
	v1 =	vadd.f32 v11, v1;
	v3 =	vld.idx.msk [tilespmem:v62+s2+$0x0], $0xffff  }
0xea: {  	v2 =	vadd.f32 v51, v2;
	v62 =	vmax.f32 v57, v54;
	v57 =	vadd.f32 $-1.000000000e+00, v20;
	v13 =	vld.idx.msk [tilespmem:v22+s2+$0x0], $0xffff  }
0xeb: {  	v21 =	vmax.f32 v55, v54;
	v1 =	vadd.f32 v56, v1;
	v54 =	vadd.s32 v22, v60;
	v22 =	vld [tilespmem:$0x1FFC0]  }
0xec: {  	v2 =	vadd.f32 v18, v2;
	v21 =	vadd.f32 v21, v44;
	v15 =	vmax.f32 v15, v57  }
0xed: {  	v55 =	vld [tilespmem:$0x8840];
	v20 =	vadd.f32 $-1.000000000e+00, v48;
	v1 =	vadd.f32 v15, v1  }
0xee: {  	v48 =	vld.idx.msk [tilespmem:v23+s2+$0x0], $0xffff;
	v44 =	vadd.f32 v62, v50;
	v62 =	vmax.f32 v17, v61;
	v53 =	vadd.f32 $-1.000000000e+00, v58  }
0xef: {  	v56 =	vadd.f32 $-1.000000000e+00, v49;
	v46 =	vmax.f32 v46, v20;
	v1 =	vadd.f32 v62, v1;
	v63 =	vld [tilespmem:$0x8830]  }
0xf0: {  	v21 =	vadd.f32 v46, v21;
	v46 =	vadd.s32 v24, v59;
	v59 =	vld.idx.msk [tilespmem:v25+s2+$0x0], $0xffff;
	v8 =	vmax.f32 v8, v53  }
0xf1: {  	v2 =	vadd.f32 v57, v2;
	v42 =	vmax.f32 v42, v20;
	v1 =	vadd.f32 v8, v1;
	v16 =	vld.idx.msk [tilespmem:v45+s2+$0x0], $0xffff  }
0xf2: {  	v10 =	vmax.f32 v10, v56;
	v4 =	vadd.f32 $-1.000000000e+00, v4;
	v5 =	vadd.f32 v42, v5;
	v42 =	vld [tilespmem:$0x8C60]  }
0xf3: {  	v2 =	vadd.f32 v61, v2;
	v1 =	vadd.f32 v10, v1;
	v15 =	vld.idx.msk [tilespmem:v22+s2+$0x0], $0xffff  }
0xf4: {  	v3 =	vmax.f32 v3, v4;
	v61 =	vadd.f32 $-1.000000000e+00, v52;
	v7 =	vadd.s32 v22, v63;
	v22 =	vld [tilespmem:$0x1FFD0]  }
0xf5: {  	v12 =	vld.idx.msk [tilespmem:v46+s2+$0x0], $0xffff;
	v1 =	vadd.f32 v3, v1  }
0xf6: {  	v52 =	vld [tilespmem:$0x8C20];
	v62 =	vmax.f32 v16, v61  }
0xf7: {  	v1 =	vadd.f32 v62, v1;
	v62 =	vld [tilespmem:$0x8C40]  }
0xf8: {  	v60 =	vld [tilespmem:$0x8850]  }
0xf9: {  	v2 =	vadd.f32 v53, v2;
	v14 =	vld.idx.msk [tilespmem:v54+s2+$0x0], $0xffff  }
0xfa: {  	v54 =	vld [tilespmem:$0x1FFE0]  }
0xfb: {  	v2 =	vadd.f32 v56, v2;
	v63 =	vld [tilespmem:$0x8860]  }
0xfc: {  	v57 =	vld.idx.msk [tilespmem:v22+s2+$0x0], $0xffff  }
0xfd: {  	v2 =	vadd.f32 v4, v2;
	v45 =	vadd.s32 v22, v55;
	v22 =	vld [tilespmem:$0x1FFF0]  }
0xfe: {  	v50 =	vadd.f32 $-1.000000000e+00, v41;
	v6 =	vld.idx.msk [tilespmem:v6+s2+$0x0], $0xffff  }
0xff: {  	v47 =	vmax.f32 v47, v20;
	v2 =	vadd.f32 v61, v2;
	v61 =	vadd.s32 v26, v52;
	v52 =	vld.idx.msk [tilespmem:v28+s2+$0x0], $0xffff  }
0x100: {  	v20 =	vmax.f32 v43, v20;
	v19 =	vadd.f32 v47, v19;
	v11 =	vadd.s32 v54, v60;
	v55 =	vld [tilespmem:$0x8870]  }
0x101: {  	v20 =	vadd.f32 v20, v44;
	v9 =	vadd.f32 $-1.000000000e+00, v9;
	v7 =	vld.idx.msk [tilespmem:v7+s2+$0x0], $0xffff  }
0x102: {  	v33 =	vmax.f32 v33, v50;
	v47 =	vadd.f32 $-1.000000000e+00, v39;
	v60 =	vld.idx.msk [tilespmem:v54+s2+$0x0], $0xffff;
	v58 =	vadd.s32 v22, v63  }
0x103: {  	v5 =	vadd.f32 v33, v5;
	v6 =	vmax.f32 v6, v9;
	v13 =	vadd.f32 $-1.000000000e+00, v13;
	v8 =	vld.idx.msk [tilespmem:v45+s2+$0x0], $0xffff  }
0x104: {  	v2 =	vadd.f32 v9, v2;
	v1 =	vadd.f32 v6, v1;
	v63 =	vld [tilespmem:$0x8C10]  }
0x105: {  	v51 =	vmax.f32 v14, v13;
	v11 =	vld.idx.msk [tilespmem:v11+s2+$0x0], $0xffff;
	v53 =	vadd.f32 $-1.000000000e+00, v15;
	v18 =	vadd.s32 v23, v55  }
0x106: {  	v2 =	vadd.f32 v13, v2;
	v1 =	vadd.f32 v51, v1;
	v3 =	vld.idx.msk [tilespmem:v22+s2+$0x0], $0xffff  }
0x107: {  	v41 =	vadd.f32 $-1.000000000e+00, v48;
	v7 =	vmax.f32 v7, v53;
	v57 =	vadd.f32 $-1.000000000e+00, v57;
	v43 =	vld.idx.msk [tilespmem:v58+s2+$0x0], $0xffff  }
0x108: {  	v56 =	vmax.f32 v35, v50;
	v2 =	vadd.f32 v53, v2;
	v1 =	vadd.f32 v7, v1;
	v58 =	vld [tilespmem:$0x8C30]  }
0x109: {  	v54 =	vld.idx.msk [tilespmem:v24+s2+$0x0], $0xffff;
	v60 =	vadd.f32 $-1.000000000e+00, v60;
	v8 =	vmax.f32 v8, v57;
	v16 =	vadd.s32 v25, v63  }
0x10a: {  	v21 =	vadd.f32 v56, v21;
	v49 =	vld.idx.msk [tilespmem:v18+s2+$0x0], $0xffff;
	v1 =	vadd.f32 v8, v1  }
0x10b: {  	v46 =	vld.idx.msk [tilespmem:v27+s2+$0x0], $0xffff;
	v11 =	vmax.f32 v11, v60;
	v2 =	vadd.f32 v57, v2;
	v3 =	vadd.f32 $-1.000000000e+00, v3  }
0x10c: {  	v55 =	vmax.f32 v32, v50;
	v32 =	vld [tilespmem:$0x8C50];
	v18 =	vmax.f32 v34, v50;
	v1 =	vadd.f32 v11, v1  }
0x10d: {  	v34 =	vld.idx.msk [tilespmem:v26+s2+$0x0], $0xffff;
	v2 =	vadd.f32 v60, v2;
	v35 =	vadd.s32 v27, v58;
	v4 =	vmax.f32 v43, v3  }
0x10e: {  	v44 =	vadd.s32 v28, v62;
	v9 =	vadd.f32 $-1.000000000e+00, v52;
	v63 =	vld.idx.msk [tilespmem:v16+s2+$0x0], $0xffff;
	v1 =	vadd.f32 v4, v1  }
0x10f: {  	v48 =	vld [tilespmem:$0x8C70];
	v45 =	vadd.f32 $-1.000000000e+00, v54;
	v2 =	vadd.f32 v3, v2;
	v3 =	vmax.f32 v49, v41  }
0x110: {  	v14 =	vadd.f32 $-1.000000000e+00, v46;
	v53 =	vmax.f32 v38, v47;
	v43 =	vld.idx.msk [tilespmem:v61+s2+$0x0], $0xffff;
	v1 =	vadd.f32 v3, v1  }
0x111: {  	v7 =	vadd.f32 $-1.000000000e+00, v59;
	v49 =	vmax.f32 v12, v45;
	v3 =	vadd.s32 v29, v32  }
0x112: {  	v17 =	vadd.s32 v30, v42;
	v6 =	vadd.f32 v53, v21;
	v50 =	vld.idx.msk [tilespmem:v35+s2+$0x0], $0xffff;
	v1 =	vadd.f32 v49, v1  }
0x113: {  	v10 =	vld.idx.msk [tilespmem:v44+s2+$0x0], $0xffff;
	v11 =	vadd.f32 $-1.000000000e+00, v34;
	v2 =	vadd.f32 v41, v2;
	v8 =	vmax.f32 v63, v7  }
0x114: {  	v54 =	vld.idx.msk [tilespmem:v29+s2+$0x0], $0xffff;
	v13 =	vadd.f32 v55, v19;
	v55 =	vmax.f32 v37, v47;
	v1 =	vadd.f32 v8, v1  }
0x115: {  	v56 =	vld.idx.msk [tilespmem:v30+s2+$0x0], $0xffff;
	v16 =	vadd.s32 v31, v48;
	v2 =	vadd.f32 v45, v2;
	v4 =	vmax.f32 v43, v11  }
0x116: {  	v51 =	vmax.f32 v40, v47;
	v5 =	vadd.f32 v55, v5;
	v3 =	vld.idx.msk [tilespmem:v3+s2+$0x0], $0xffff;
	v1 =	vadd.f32 v4, v1  }
0x117: {  	v59 =	vld.idx.msk [tilespmem:v31+s2+$0x0], $0xffff;
	v13 =	vadd.f32 v51, v13;
	v2 =	vadd.f32 v7, v2;
	v57 =	vmax.f32 v50, v14  }
0x118: {  	v10 =	vmax.f32 v10, v9;
	v18 =	vadd.f32 v18, v20;
	v58 =	vld.idx.msk [tilespmem:v17+s2+$0x0], $0xffff;
	v1 =	vadd.f32 v57, v1  }
0x119: {  	v15 =	vmax.f32 v36, v47;
	v8 =	vadd.f32 $-1.000000000e+00, v54;
	v2 =	vadd.f32 v11, v2  }
0x11a: {  	v60 =	vadd.f32 v15, v18;
	v61 =	vld.idx.msk [tilespmem:v16+s2+$0x0], $0xffff;
	v1 =	vadd.f32 v10, v1  }
0x11b: {  	v4 =	vadd.f32 $-1.000000000e+00, v56;
	v2 =	vadd.f32 v14, v2;
	v3 =	vmax.f32 v3, v8  }
0x11c: {  	v1 =	vadd.f32 v3, v1;
	v3 =	vadd.f32 v6, v13  }
0x11d: {  	v7 =	vadd.f32 $-1.000000000e+00, v59;
	v62 =	vmax.f32 v58, v4;
	v2 =	vadd.f32 v9, v2  }
0x11e: {  	v1 =	vadd.f32 v62, v1;
	v3 =	vadd.f32 v5, v3  }
0x11f: {  	v63 =	vmax.f32 v61, v7;
	v2 =	vadd.f32 v8, v2  }
0x120: {  	v1 =	vadd.f32 v63, v1;
	v3 =	vadd.f32 v60, v3;
	_ =	sdelay $0x1  }
0x121: {  	v2 =	vadd.f32 v4, v2;
	v1 =	vsub.f32 v3, v1;
	_ =	sdelay $0x1  }
0x122: {  	v2 =	vadd.f32 v7, v2;
	v1 =	vmul.f32 $1.587301680e-02, v1;
	_ =	sdelay $0x1  }
0x123: {  	s15 =	sadd.s32 $0x1, s15;
	v1 =	vsub.f32 v1, v2  }
0x124: {  	p0 =	sne.s32 s15, s7  }
.Ltmp2:
0x125: {  	[tilespmem:$0x9000] =	vst v1;
	(pc) =	sbr.rel @p0 .LBB2_1-.Ltmp2, $4  }
0x126: {  	[hbm4b:s6+s2] =	stream.linear.scatter [tilespmem:s13], [sflag:$0x4], $0x80, $0x38;
	[tilespmem:$0x9080] =	vst v63  }
0x127: {  	_ =	swait.ge [sflag:s14], $0x80  }
0x128: {  	[sflag:s14] =	ssyncset.done $0x0  }
0x129: {  	[sflag:s14] =	ssyncadd.s32 $0xFFFFFF80  }
0x12a: {  	_ =	sfence.sel $0x180000  }
0x12b: {  	[bflag:$0x0] =	sbarrier.arrive $0xFFFF  }
0x12c: {  	p0 =	sne.s32 s1, $0x0;
	_ =	strace $0x90000047  }
0x12d: {  	s0 =	sadd.s32 @!p0 $0x100000, s0;
	[bflag:$0x2] =	sbarrier.arrive $0xFFFF  }
0x12e: {  	[sflag:s0] =	ssyncadd.tile.s32 @!p0 $0x1;
	_ =	shalt  }
.Lfunc_end2:
_tile_overlayer_lowered:
.L_overlay_start_2:
0x12f: {  	(tag) =	ssettag $0x2  }
0x130: {  	s0 =	rddreg [dreg:$0x0];
	s2 =	stileid.u32  }
0x131: {  	s1 =	rddreg [dreg:$0x1];
	p0 =	sne.s32 s2, $0x0  }
0x132: {  	s3 =	rddreg [dreg:$0x2];
	[bflag:$0x3] =	sbarrier.arrive $0xFFFF;
	s2 =	simm.s32 @!p0 $0x1C04  }
0x133: {  	[timem:s3], [sflag:s2] =	dma.local @!p0 [hbm:s0], s1  }
0x134: {  	s0 =	simm.s32 @!p0 $0x4  }
0x135: {  	_ =	swait.ge @!p0 [sflag:s0], s1  }
0x136: {  	s1 =	ssub.s32 @!p0 $0x0, s1;
	[sflag:s0] =	ssyncset.done @!p0 $0x0  }
0x137: {  	[sflag:s0] =	ssyncadd.s32 @!p0 s1  }
0x138: {  	[bflag:$0x3] =	sbarrier.arrive $0xFFFF  }
0x139: {  	_ =	shalt  }

</sc_bundles>
